<compile_context>
chip_gen: v7x
topology: tpu7x:2x2x1
jax: 0.10.2.dev20260603
libtpu: 0.0.44.dev20260713+nightly
codegen_flags: <defaults>
</compile_context>

<pallas_src>
import dataclasses
import functools

import jax
import jax.numpy as jnp
from jax import lax
from jax.experimental import pallas as pl
from jax.experimental.pallas import tpu as pltpu
from jax.experimental.pallas import tpu_sc as plsc

N = 10000
E = 320000
D_IN = 128
HID = 128
D_OUT = 64
G = 128

NC = 2
NS = 16
NW = NC * NS
EPW = E // NW
CH = 100
NCHUNK = EPW // CH
CH1 = 50
NCHUNK1 = EPW // CH1
NBUF = 4
NBUF2 = 4
NPAD = 10240
RPT = NPAD // NS

_mesh = plsc.VectorSubcoreMesh(core_axis_name="c", subcore_axis_name="s")

_sc_params = pltpu.CompilerParams()
if "needs_layout_passes" in pltpu.CompilerParams.__dataclass_fields__:
    _sc_params = dataclasses.replace(_sc_params, needs_layout_passes=False)
_sc_flat_params = _sc_params
if "use_tc_tiling_on_sc" in pltpu.CompilerParams.__dataclass_fields__:
    _sc_flat_params = dataclasses.replace(_sc_flat_params,
                                          use_tc_tiling_on_sc=False)



def _deg_body(dst_hbm, out_hbm, idx_v, deg_v):
    cid = lax.axis_index("c")
    sid = lax.axis_index("s")
    wid = cid * NS + sid
    pltpu.sync_copy(dst_hbm.at[pl.ds(wid * EPW, EPW)], idx_v)
    zeros16 = jnp.zeros((16,), jnp.float32)

    @pl.loop(0, N // 16)
    def _zero(j):
        deg_v[pl.ds(j * 16, 16)] = zeros16

    ones16 = jnp.ones((16,), jnp.float32)

    @pl.loop(0, EPW // 16)
    def _count(j):
        idx16 = idx_v[pl.ds(j * 16, 16)]
        plsc.addupdate_scatter(deg_v, [idx16], ones16)

    pltpu.sync_copy(deg_v, out_hbm.at[pl.ds(wid * N, N)])


_deg_kernel = pl.kernel(
    out_type=jax.ShapeDtypeStruct((NW * N,), jnp.float32),
    mesh=_mesh,
    compiler_params=_sc_params,
    scratch_types=[
        pltpu.VMEM((EPW,), jnp.int32),
        pltpu.VMEM((N,), jnp.float32),
    ],
)(_deg_body)


def _edge_body(d, ch, nchunk, s_hbm, src_hbm, dst_hbm, out_hbm,
               src_v, dst_v, rows, sems, acc_sh):
    cid = lax.axis_index("c")
    sid = lax.axis_index("s")
    wid = cid * NS + sid
    zeros16 = jnp.zeros((16,), jnp.float32)

    @pl.loop(0, ch)
    def _zr(r):
        @pl.loop(0, d // 16)
        def _zc(c):
            rows[0][r, pl.ds(c * 16, 16)] = zeros16

    for k in range(RPT // ch):
        pltpu.sync_copy(rows[0], acc_sh.at[pl.ds(sid * RPT + k * ch, ch)])
    rem = RPT % ch
    pltpu.sync_copy(rows[0].at[pl.ds(0, rem)],
                    acc_sh.at[pl.ds(sid * RPT + RPT - rem, rem)])
    pltpu.sync_copy(src_hbm.at[wid], src_v)
    pltpu.sync_copy(dst_hbm.at[wid], dst_v)
    plsc.subcore_barrier()

    nbuf = len(rows)
    for b in range(nbuf - 1):
        pltpu.async_copy(s_hbm.at[src_v.at[b]], rows[b], sems[b])

    @pl.loop(0, nchunk // nbuf)
    def _edges(p):
        j = p * nbuf
        for b in range(nbuf):
            pltpu.make_async_copy(s_hbm.at[src_v.at[j + b]],
                                  rows[b], sems[b]).wait()
            nxt = j + b + nbuf - 1
            bb = (b + nbuf - 1) % nbuf

            @pl.when(nxt < nchunk)
            def _issue():
                pltpu.async_copy(s_hbm.at[src_v.at[nxt]],
                                 rows[bb], sems[bb])

            pltpu.sync_copy(rows[b], acc_sh.at[dst_v.at[j + b]], add=True)

    for c in range((nchunk // nbuf) * nbuf, nchunk):
        pltpu.make_async_copy(s_hbm.at[src_v.at[c]],
                              rows[c % nbuf], sems[c % nbuf]).wait()
        pltpu.sync_copy(rows[c % nbuf], acc_sh.at[dst_v.at[c]], add=True)

    plsc.subcore_barrier()
    pltpu.sync_copy(acc_sh.at[pl.ds(sid * RPT, RPT)],
                    out_hbm.at[pl.ds(cid * NPAD + sid * RPT, RPT)])


def _make_edge_kernel(d):
    def body(s_hbm, src_hbm, dst_hbm, out_hbm, src_v, dst_v, *rest):
        rows = list(rest[:NBUF])
        acc_sh = rest[NBUF]
        sems = list(rest[NBUF + 1:NBUF + 1 + NBUF])
        _edge_body(d, CH1, NCHUNK1, s_hbm, src_hbm, dst_hbm, out_hbm,
                   src_v, dst_v, rows, sems, acc_sh)

    return pl.kernel(
        out_type=jax.ShapeDtypeStruct((NC * NPAD, d), jnp.float32),
        mesh=_mesh,
        compiler_params=_sc_flat_params,
        scratch_types=[
            pltpu.VMEM((NCHUNK1, CH1), jnp.int32),
            pltpu.VMEM((NCHUNK1, CH1), jnp.int32),
        ] + [pltpu.VMEM((CH1, d), jnp.float32) for _ in range(NBUF)] + [
            pltpu.VMEM_SHARED((NPAD, d), jnp.float32),
        ] + [pltpu.SemaphoreType.DMA for _ in range(NBUF)],
    )(body)


def _edge_body_staged(d, s_hbm, src_hbm, dst_hbm, out_hbm,
                      src_v, dst_v, *rest):
    rows = list(rest[:NBUF2])
    s_sh = rest[NBUF2]
    acc_sh = rest[NBUF2 + 1]
    sems = list(rest[NBUF2 + 2:NBUF2 + 2 + NBUF2])
    cid = lax.axis_index("c")
    sid = lax.axis_index("s")
    wid = cid * NS + sid
    zeros16 = jnp.zeros((16,), jnp.float32)

    @pl.loop(0, CH)
    def _zr(r):
        @pl.loop(0, d // 16)
        def _zc(c):
            rows[0][r, pl.ds(c * 16, 16)] = zeros16

    for k in range(RPT // CH):
        pltpu.sync_copy(rows[0], acc_sh.at[pl.ds(sid * RPT + k * CH, CH)])
    rem = RPT % CH
    pltpu.sync_copy(rows[0].at[pl.ds(0, rem)],
                    acc_sh.at[pl.ds(sid * RPT + RPT - rem, rem)])
    pltpu.sync_copy(s_hbm.at[pl.ds(sid * (N // NS), N // NS)],
                    s_sh.at[pl.ds(sid * (N // NS), N // NS)])
    pltpu.sync_copy(src_hbm.at[wid], src_v)
    pltpu.sync_copy(dst_hbm.at[wid], dst_v)
    plsc.subcore_barrier()

    nbuf = len(rows)
    for b in range(nbuf - 1):
        pltpu.async_copy(s_sh.at[src_v.at[b]], rows[b], sems[b])

    @pl.loop(0, NCHUNK // nbuf)
    def _edges(p):
        j = p * nbuf
        for b in range(nbuf):
            pltpu.make_async_copy(s_sh.at[src_v.at[j + b]],
                                  rows[b], sems[b]).wait()
            nxt = j + b + nbuf - 1
            bb = (b + nbuf - 1) % nbuf

            @pl.when(nxt < NCHUNK)
            def _issue():
                pltpu.async_copy(s_sh.at[src_v.at[nxt]],
                                 rows[bb], sems[bb])

            pltpu.sync_copy(rows[b], acc_sh.at[dst_v.at[j + b]], add=True)

    for c in range((NCHUNK // nbuf) * nbuf, NCHUNK):
        pltpu.make_async_copy(s_sh.at[src_v.at[c]],
                              rows[c % nbuf], sems[c % nbuf]).wait()
        pltpu.sync_copy(rows[c % nbuf], acc_sh.at[dst_v.at[c]], add=True)

    plsc.subcore_barrier()
    pltpu.sync_copy(acc_sh.at[pl.ds(sid * RPT, RPT)],
                    out_hbm.at[pl.ds(cid * NPAD + sid * RPT, RPT)])


def _make_edge_kernel_staged(d):
    return pl.kernel(
        out_type=jax.ShapeDtypeStruct((NC * NPAD, d), jnp.float32),
        mesh=_mesh,
        compiler_params=_sc_flat_params,
        scratch_types=[
            pltpu.VMEM((NCHUNK, CH), jnp.int32),
            pltpu.VMEM((NCHUNK, CH), jnp.int32),
        ] + [pltpu.VMEM((CH, d), jnp.float32) for _ in range(NBUF2)] + [
            pltpu.VMEM_SHARED((N, d), jnp.float32),
            pltpu.VMEM_SHARED((NPAD, d), jnp.float32),
        ] + [pltpu.SemaphoreType.DMA for _ in range(NBUF2)],
    )(functools.partial(_edge_body_staged, d))


_edge_kernel_h = _make_edge_kernel(HID)
_edge_kernel_o = _make_edge_kernel_staged(D_OUT)



def _prep_body(x_ref, w_ref, parts_ref, s_ref, dinv_ref):
    xw = jnp.dot(x_ref[...], w_ref[...], preferred_element_type=jnp.float32)
    ones_col = jnp.ones((NW, 1), jnp.float32)
    deg = lax.dot_general(parts_ref[...], ones_col, (((0,), (0,)), ((), ())),
                          preferred_element_type=jnp.float32) + 1.0
    dinv = lax.rsqrt(deg)
    dinv_ref[...] = dinv
    s_ref[...] = xw * dinv


def _prep_kernel(x, w1, parts):
    return pl.pallas_call(
        _prep_body,
        out_shape=[jax.ShapeDtypeStruct((N, HID), jnp.float32),
                   jax.ShapeDtypeStruct((N, 1), jnp.float32)],
    )(x, w1, parts)


def _mid_body(acc_ref, s1_ref, dinv_ref, b1_ref, w2_ref, s2_ref):
    dinv = dinv_ref[...]
    acc = acc_ref[...]
    pre = (acc[0:N] + acc[NPAD:NPAD + N] + s1_ref[...]) * dinv + b1_ref[...]
    h1 = jnp.maximum(pre, 0.0)
    s2_ref[...] = jnp.dot(h1, w2_ref[...],
                          preferred_element_type=jnp.float32) * dinv


def _mid_kernel(acc1, s1, dinv, b1, w2):
    return pl.pallas_call(
        _mid_body,
        out_shape=jax.ShapeDtypeStruct((N, D_OUT), jnp.float32),
    )(acc1, s1, dinv, b1, w2)


def _out_body(acc_ref, s2_ref, dinv_ref, b2_ref, batch_ref, hs_ref, h_ref):
    acc = acc_ref[...]
    h = (acc[0:N] + acc[NPAD:NPAD + N] + s2_ref[...]) * dinv_ref[...] \
        + b2_ref[...]
    h_ref[...] = h
    iota = lax.broadcasted_iota(jnp.int32, (G, N), 0)
    onehot_t = (batch_ref[...] == iota).astype(jnp.float32)
    hs_ref[...] = jnp.dot(onehot_t, h, preferred_element_type=jnp.float32)


def _out_kernel(acc2, s2, dinv, b2, batch_row):
    return pl.pallas_call(
        _out_body,
        out_shape=[jax.ShapeDtypeStruct((G, D_OUT), jnp.float32),
                   jax.ShapeDtypeStruct((N, D_OUT), jnp.float32)],
    )(acc2, s2, dinv, b2, batch_row)



def kernel(x, edge_index, batch, W1, b1, W2, b2):
    src3d = edge_index[0].reshape(NW, NCHUNK, CH)
    dst3d = edge_index[1].reshape(NW, NCHUNK, CH)
    src3d1 = edge_index[0].reshape(NW, NCHUNK1, CH1)
    dst3d1 = edge_index[1].reshape(NW, NCHUNK1, CH1)
    dst_flat = edge_index[1]

    deg_parts = _deg_kernel(dst_flat).reshape(NW, N)
    s1, dinv = _prep_kernel(x, W1, deg_parts)
    acc1 = _edge_kernel_h(s1, src3d1, dst3d1)
    s2 = _mid_kernel(acc1, s1, dinv, b1.reshape(1, HID), W2)
    acc2 = _edge_kernel_o(s2, src3d, dst3d)
    hs, h = _out_kernel(acc2, s2, dinv, b2.reshape(1, D_OUT),
                        batch.reshape(1, N))
    return (hs, h)

# --- scband reference (transcript-rebuilt; emitter-appended) ---
"""Pipeline reference for scband-tdrumor-gcn-7825430413983 (READ-ONLY COPY).

The authoritative reference and input builder live on the scoring server;
editing this copy changes nothing except your own understanding.
"""

import jax, jax.numpy as jnp
import numpy as np

N = 10000
E = 320000
D_IN = 128
HID = 128
D_OUT = 64
G = 128


def setup_inputs(seed: int = 0) -> dict:
    key = jax.random.key(seed)
    k1, k2, k3, k4, k5 = jax.random.split(key, 5)
    x = jax.random.normal(k1, (N, D_IN), dtype=jnp.float32)
    edge_index = jax.random.randint(k2, (2, E), 0, N, dtype=jnp.int32)
    batch = jnp.sort(jax.random.randint(k3, (N,), 0, G, dtype=jnp.int32))
    # GCNConv learned params (glorot-ish init)
    W1 = jax.random.normal(k4, (D_IN, HID), dtype=jnp.float32) * (1.0 / np.sqrt(D_IN))
    b1 = jnp.zeros((HID,), dtype=jnp.float32)
    W2 = jax.random.normal(k5, (HID, D_OUT), dtype=jnp.float32) * (1.0 / np.sqrt(HID))
    b2 = jnp.zeros((D_OUT,), dtype=jnp.float32)
    return {"x": x, "edge_index": edge_index, "batch": batch,
            "W1": W1, "b1": b1, "W2": W2, "b2": b2}


def gcn_conv(x, edge_index, W, b):
    # PyG GCNConv: x' = D^{-1/2} (A + I) D^{-1/2} X W + b
    n = x.shape[0]
    loop = jnp.arange(n, dtype=edge_index.dtype)
    src = jnp.concatenate([edge_index[0], loop])
    dst = jnp.concatenate([edge_index[1], loop])
    deg = jnp.zeros((n,), dtype=x.dtype).at[dst].add(1.0)
    dinv = jnp.where(deg > 0, 1.0 / jnp.sqrt(deg), 0.0)
    norm = dinv[src] * dinv[dst]
    xw = x @ W
    msg = xw[src] * norm[:, None]
    out = jnp.zeros((n, W.shape[1]), dtype=x.dtype).at[dst].add(msg)
    return out + b


def reference(x, edge_index, batch, W1, b1, W2, b2):
    h = jax.nn.relu(gcn_conv(x, edge_index, W1, b1))
    # dropout is identity in eval mode
    h = gcn_conv(h, edge_index, W2, b2)
    hs = jax.ops.segment_sum(h, batch, num_segments=G)
    return (hs, h)

if __name__ == "__main__":
    import jax
    _d = setup_inputs()
    print(jax.jit(kernel)(*tuple(_d.values())))

</pallas_src>

<mosaic_0001>
#map = affine_map<(d0, d1) -> (0)>
module attributes {stable_mosaic.version = 14 : i64} {
  func.func @_deg_body(%arg0: i32, %arg1: i32, %arg2: memref<320000xi32, #tpu.memory_space<hbm>>, %arg3: memref<320000xf32, #tpu.memory_space<hbm>>, %arg4: memref<10000xi32, #tpu.memory_space<vmem>>, %arg5: memref<10000xf32, #tpu.memory_space<vmem>>) attributes {dimension_semantics = [#tpu.dimension_semantics<core_parallel>, #tpu.dimension_semantics<subcore_parallel>], iteration_bounds = array<i64: 2, 16>, scalar_prefetch = 0 : i64, scratch_operands = 2 : i64, tpu.core_type = #tpu.core_type<sc_vector_subcore>, window_params = [{transform_indices = #map}, {transform_indices = #map}]} {
    %mul3A = arith.constant 16 : i32
    %mul3A_0 = arith.muli %arg0, %mul3A : i32
    %add3A = arith.addi %mul3A_0, %arg1 : i32
    %mul3A_1 = arith.constant 10000 : i32
    %mul3A_2 = arith.muli %add3A, %mul3A_1 : i32
    "tpu.region"() ({
      %run_scoped3A = tpu.sem_alloc : memref<!tpu.dma_semaphore, #tpu.memory_space<semaphore_mem>>
      %dma_start3A = tpu.memref_slice %arg2[%mul3A_2] : memref<320000xi32, #tpu.memory_space<hbm>> -> memref<10000xi32, #tpu.memory_space<hbm>>
      %dma_start3A_17 = tpu.memref_slice %arg2[%mul3A_2] : memref<320000xi32, #tpu.memory_space<hbm>> -> memref<10000xi32, #tpu.memory_space<hbm>>
      tpu.enqueue_dma source(%dma_start3A_17 : memref<10000xi32, #tpu.memory_space<hbm>>) target(%arg4 : memref<10000xi32, #tpu.memory_space<vmem>>) target_semaphore(%run_scoped3A : memref<!tpu.dma_semaphore, #tpu.memory_space<semaphore_mem>>)
      %dma_wait3A = tpu.memref_slice %arg2[%mul3A_2] : memref<320000xi32, #tpu.memory_space<hbm>> -> memref<10000xi32, #tpu.memory_space<hbm>>
      %dma_wait3A_18 = tpu.memref_slice %arg2[%mul3A_2] : memref<320000xi32, #tpu.memory_space<hbm>> -> memref<10000xi32, #tpu.memory_space<hbm>>
      tpu.wait_dma2 semaphore(%run_scoped3A : memref<!tpu.dma_semaphore, #tpu.memory_space<semaphore_mem>>) src(%dma_wait3A_18 : memref<10000xi32, #tpu.memory_space<hbm>>) dst(%arg4 : memref<10000xi32, #tpu.memory_space<vmem>>)
      tpu.yield
    }) : () -> ()
    %broadcast_in_dim3A = arith.constant 0.000000e+00 : f32
    %broadcast_in_dim3A_3 = vector.broadcast %broadcast_in_dim3A : f32 to vector<16xf32>
    %scan3A = arith.constant 0 : i32
    %scan3A_4 = arith.constant 625 : i32
    %scan3A_5 = arith.addi %scan3A, %scan3A_4 : i32
    %scan3A_6 = arith.constant 1 : i32
    scf.for %scan3A_17 = %scan3A to %scan3A_5 step %scan3A_6  : i32 {
      %mul3A_18 = arith.constant 1 : i32
      %mul3A_19 = arith.muli %scan3A_17, %mul3A_18 : i32
      %add3A_20 = arith.constant 0 : i32
      %add3A_21 = arith.addi %add3A_20, %mul3A_19 : i32
      %mul3A_22 = arith.constant 16 : i32
      %mul3A_23 = arith.muli %add3A_21, %mul3A_22 : i32
      %swap3A = arith.index_cast %mul3A_23 : i32 to index
      %swap3A_24 = tpu.vector_load %arg5[%swap3A] {strides = array<i32>} : memref<10000xf32, #tpu.memory_space<vmem>>, vector<16xf32>,
      tpu.vector_store %arg5[%swap3A], %broadcast_in_dim3A_3 {strides = array<i32>} : memref<10000xf32, #tpu.memory_space<vmem>>, vector<16xf32>,
    }
    %scan3A_7 = arith.constant 625 : i32
    %broadcast_in_dim3A_8 = arith.constant 1.000000e+00 : f32
    %broadcast_in_dim3A_9 = vector.broadcast %broadcast_in_dim3A_8 : f32 to vector<16xf32>
    %scan3A_10 = arith.constant 0 : i32
    %scan3A_11 = arith.constant 625 : i32
    %scan3A_12 = arith.addi %scan3A_10, %scan3A_11 : i32
    %scan3A_13 = arith.constant 1 : i32
    scf.for %scan3A_17 = %scan3A_10 to %scan3A_12 step %scan3A_13  : i32 {
      %mul3A_18 = arith.constant 1 : i32
      %mul3A_19 = arith.muli %scan3A_17, %mul3A_18 : i32
      %add3A_20 = arith.constant 0 : i32
      %add3A_21 = arith.addi %add3A_20, %mul3A_19 : i32
      %mul3A_22 = arith.constant 16 : i32
      %mul3A_23 = arith.muli %add3A_21, %mul3A_22 : i32
      %get3A = arith.index_cast %mul3A_23 : i32 to index
      %get3A_24 = tpu.vector_load %arg4[%get3A] {strides = array<i32>} : memref<10000xi32, #tpu.memory_space<vmem>>, vector<16xi32>,
      tpu.vector_store_idx %arg5[%get3A_24], %broadcast_in_dim3A_9 {add = true} : memref<10000xf32, #tpu.memory_space<vmem>>[vector<16xi32>], vector<16xf32>,
    }
    %scan3A_14 = arith.constant 625 : i32
    %mul3A_15 = arith.constant 10000 : i32
    %mul3A_16 = arith.muli %add3A, %mul3A_15 : i32
    "tpu.region"() ({
      %run_scoped3A = tpu.sem_alloc : memref<!tpu.dma_semaphore, #tpu.memory_space<semaphore_mem>>
      %dma_start3A = tpu.memref_slice %arg3[%mul3A_16] : memref<320000xf32, #tpu.memory_space<hbm>> -> memref<10000xf32, #tpu.memory_space<hbm>>
      %dma_start3A_17 = tpu.memref_slice %arg3[%mul3A_16] : memref<320000xf32, #tpu.memory_space<hbm>> -> memref<10000xf32, #tpu.memory_space<hbm>>
      tpu.enqueue_dma source(%arg5 : memref<10000xf32, #tpu.memory_space<vmem>>) target(%dma_start3A_17 : memref<10000xf32, #tpu.memory_space<hbm>>) target_semaphore(%run_scoped3A : memref<!tpu.dma_semaphore, #tpu.memory_space<semaphore_mem>>)
      %dma_wait3A = tpu.memref_slice %arg3[%mul3A_16] : memref<320000xf32, #tpu.memory_space<hbm>> -> memref<10000xf32, #tpu.memory_space<hbm>>
      %dma_wait3A_18 = tpu.memref_slice %arg3[%mul3A_16] : memref<320000xf32, #tpu.memory_space<hbm>> -> memref<10000xf32, #tpu.memory_space<hbm>>
      tpu.wait_dma2 semaphore(%run_scoped3A : memref<!tpu.dma_semaphore, #tpu.memory_space<semaphore_mem>>) src(%arg5 : memref<10000xf32, #tpu.memory_space<vmem>>) dst(%dma_wait3A_18 : memref<10000xf32, #tpu.memory_space<hbm>>)
      tpu.yield
    }) : () -> ()
    return
  }
}

#map = affine_map<(d0, d1) -> (0, 0)>
#map1 = affine_map<(d0, d1) -> (0, 0, 0)>
module attributes {stable_mosaic.version = 14 : i64} {
  func.func @body(%arg0: i32, %arg1: i32, %arg2: memref<10000x128xf32, #tpu.memory_space<hbm>>, %arg3: memref<32x200x50xi32, #tpu.memory_space<hbm>>, %arg4: memref<32x200x50xi32, #tpu.memory_space<hbm>>, %arg5: memref<20480x128xf32, #tpu.memory_space<hbm>>, %arg6: memref<200x50xi32, #tpu.memory_space<vmem>>, %arg7: memref<200x50xi32, #tpu.memory_space<vmem>>, %arg8: memref<50x128xf32, #tpu.memory_space<vmem>>, %arg9: memref<50x128xf32, #tpu.memory_space<vmem>>, %arg10: memref<50x128xf32, #tpu.memory_space<vmem>>, %arg11: memref<50x128xf32, #tpu.memory_space<vmem>>, %arg12: memref<10240x128xf32, #tpu.memory_space<vmem_shared>>, %arg13: memref<!tpu.dma_semaphore, #tpu.memory_space<semaphore_mem>>, %arg14: memref<!tpu.dma_semaphore, #tpu.memory_space<semaphore_mem>>, %arg15: memref<!tpu.dma_semaphore, #tpu.memory_space<semaphore_mem>>, %arg16: memref<!tpu.dma_semaphore, #tpu.memory_space<semaphore_mem>>) attributes {dimension_semantics = [#tpu.dimension_semantics<core_parallel>, #tpu.dimension_semantics<subcore_parallel>], iteration_bounds = array<i64: 2, 16>, scalar_prefetch = 0 : i64, scratch_operands = 11 : i64, tpu.core_type = #tpu.core_type<sc_vector_subcore>, window_params = [{transform_indices = #map}, {transform_indices = #map1}, {transform_indices = #map1}, {transform_indices = #map}]} {
    %mul3A = arith.constant 16 : i32
    %mul3A_0 = arith.muli %arg0, %mul3A : i32
    %add3A = arith.addi %mul3A_0, %arg1 : i32
    %broadcast_in_dim3A = arith.constant 0.000000e+00 : f32
    %broadcast_in_dim3A_1 = vector.broadcast %broadcast_in_dim3A : f32 to vector<16xf32>
    %scan3A = arith.constant 0 : i32
    %scan3A_2 = arith.constant 50 : i32
    %scan3A_3 = arith.addi %scan3A, %scan3A_2 : i32
    %scan3A_4 = arith.constant 1 : i32
    scf.for %scan3A_92 = %scan3A to %scan3A_3 step %scan3A_4  : i32 {
      %mul3A_93 = arith.constant 1 : i32
      %mul3A_94 = arith.muli %scan3A_92, %mul3A_93 : i32
      %add3A_95 = arith.constant 0 : i32
      %add3A_96 = arith.addi %add3A_95, %mul3A_94 : i32
      %scan3A_97 = arith.constant 0 : i32
      %scan3A_98 = arith.constant 8 : i32
      %scan3A_99 = arith.addi %scan3A_97, %scan3A_98 : i32
      %scan3A_100 = arith.constant 1 : i32
      scf.for %scan3A_102 = %scan3A_97 to %scan3A_99 step %scan3A_100  : i32 {
        %mul3A_103 = arith.constant 1 : i32
        %mul3A_104 = arith.muli %scan3A_102, %mul3A_103 : i32
        %add3A_105 = arith.constant 0 : i32
        %add3A_106 = arith.addi %add3A_105, %mul3A_104 : i32
        %mul3A_107 = arith.constant 16 : i32
        %mul3A_108 = arith.muli %add3A_106, %mul3A_107 : i32
        %swap3A = arith.index_cast %add3A_96 : i32 to index
        %swap3A_109 = arith.index_cast %mul3A_108 : i32 to index
        %swap3A_110 = tpu.vector_load %arg8[%swap3A, %swap3A_109] {strides = array<i32>} : memref<50x128xf32, #tpu.memory_space<vmem>>, vector<16xf32>,
        tpu.vector_store %arg8[%swap3A, %swap3A_109], %broadcast_in_dim3A_1 {strides = array<i32>} : memref<50x128xf32, #tpu.memory_space<vmem>>, vector<16xf32>,
      }
      %scan3A_101 = arith.constant 8 : i32
    }
    %scan3A_5 = arith.constant 50 : i32
    %mul3A_6 = arith.constant 640 : i32
    %mul3A_7 = arith.muli %arg1, %mul3A_6 : i32
    %add3A_8 = arith.constant 0 : i32
    %add3A_9 = arith.addi %mul3A_7, %add3A_8 : i32
    "tpu.region"() ({
      %run_scoped3A = tpu.sem_alloc : memref<!tpu.dma_semaphore, #tpu.memory_space<semaphore_mem>>
      %dma_start3A_92 = arith.constant 0 : i32
      %dma_start3A_93 = tpu.memref_slice %arg12[%add3A_9, %dma_start3A_92] : memref<10240x128xf32, #tpu.memory_space<vmem_shared>> -> memref<50x128xf32, #tpu.memory_space<vmem_shared>>
      %dma_start3A_94 = arith.constant 0 : i32
      %dma_start3A_95 = tpu.memref_slice %arg12[%add3A_9, %dma_start3A_94] : memref<10240x128xf32, #tpu.memory_space<vmem_shared>> -> memref<50x128xf32, #tpu.memory_space<vmem_shared>>
      tpu.enqueue_dma source(%arg8 : memref<50x128xf32, #tpu.memory_space<vmem>>) target(%dma_start3A_95 : memref<50x128xf32, #tpu.memory_space<vmem_shared>>) target_semaphore(%run_scoped3A : memref<!tpu.dma_semaphore, #tpu.memory_space<semaphore_mem>>)
      %dma_wait3A = arith.constant 0 : i32
      %dma_wait3A_96 = tpu.memref_slice %arg12[%add3A_9, %dma_wait3A] : memref<10240x128xf32, #tpu.memory_space<vmem_shared>> -> memref<50x128xf32, #tpu.memory_space<vmem_shared>>
      %dma_wait3A_97 = arith.constant 0 : i32
      %dma_wait3A_98 = tpu.memref_slice %arg12[%add3A_9, %dma_wait3A_97] : memref<10240x128xf32, #tpu.memory_space<vmem_shared>> -> memref<50x128xf32, #tpu.memory_space<vmem_shared>>
      tpu.wait_dma2 semaphore(%run_scoped3A : memref<!tpu.dma_semaphore, #tpu.memory_space<semaphore_mem>>) src(%arg8 : memref<50x128xf32, #tpu.memory_space<vmem>>) dst(%dma_wait3A_98 : memref<50x128xf32, #tpu.memory_space<vmem_shared>>)
      tpu.yield
    }) : () -> ()
    %mul3A_10 = arith.constant 640 : i32
    %mul3A_11 = arith.muli %arg1, %mul3A_10 : i32
    %add3A_12 = arith.constant 50 : i32
    %add3A_13 = arith.addi %mul3A_11, %add3A_12 : i32
    "tpu.region"() ({
      %run_scoped3A = tpu.sem_alloc : memref<!tpu.dma_semaphore, #tpu.memory_space<semaphore_mem>>
      %dma_start3A_92 = arith.constant 0 : i32
      %dma_start3A_93 = tpu.memref_slice %arg12[%add3A_13, %dma_start3A_92] : memref<10240x128xf32, #tpu.memory_space<vmem_shared>> -> memref<50x128xf32, #tpu.memory_space<vmem_shared>>
      %dma_start3A_94 = arith.constant 0 : i32
      %dma_start3A_95 = tpu.memref_slice %arg12[%add3A_13, %dma_start3A_94] : memref<10240x128xf32, #tpu.memory_space<vmem_shared>> -> memref<50x128xf32, #tpu.memory_space<vmem_shared>>
      tpu.enqueue_dma source(%arg8 : memref<50x128xf32, #tpu.memory_space<vmem>>) target(%dma_start3A_95 : memref<50x128xf32, #tpu.memory_space<vmem_shared>>) target_semaphore(%run_scoped3A : memref<!tpu.dma_semaphore, #tpu.memory_space<semaphore_mem>>)
      %dma_wait3A = arith.constant 0 : i32
      %dma_wait3A_96 = tpu.memref_slice %arg12[%add3A_13, %dma_wait3A] : memref<10240x128xf32, #tpu.memory_space<vmem_shared>> -> memref<50x128xf32, #tpu.memory_space<vmem_shared>>
      %dma_wait3A_97 = arith.constant 0 : i32
      %dma_wait3A_98 = tpu.memref_slice %arg12[%add3A_13, %dma_wait3A_97] : memref<10240x128xf32, #tpu.memory_space<vmem_shared>> -> memref<50x128xf32, #tpu.memory_space<vmem_shared>>
      tpu.wait_dma2 semaphore(%run_scoped3A : memref<!tpu.dma_semaphore, #tpu.memory_space<semaphore_mem>>) src(%arg8 : memref<50x128xf32, #tpu.memory_space<vmem>>) dst(%dma_wait3A_98 : memref<50x128xf32, #tpu.memory_space<vmem_shared>>)
      tpu.yield
    }) : () -> ()
    %mul3A_14 = arith.constant 640 : i32
    %mul3A_15 = arith.muli %arg1, %mul3A_14 : i32
    %add3A_16 = arith.constant 100 : i32
    %add3A_17 = arith.addi %mul3A_15, %add3A_16 : i32
    "tpu.region"() ({
      %run_scoped3A = tpu.sem_alloc : memref<!tpu.dma_semaphore, #tpu.memory_space<semaphore_mem>>
      %dma_start3A_92 = arith.constant 0 : i32
      %dma_start3A_93 = tpu.memref_slice %arg12[%add3A_17, %dma_start3A_92] : memref<10240x128xf32, #tpu.memory_space<vmem_shared>> -> memref<50x128xf32, #tpu.memory_space<vmem_shared>>
      %dma_start3A_94 = arith.constant 0 : i32
      %dma_start3A_95 = tpu.memref_slice %arg12[%add3A_17, %dma_start3A_94] : memref<10240x128xf32, #tpu.memory_space<vmem_shared>> -> memref<50x128xf32, #tpu.memory_space<vmem_shared>>
      tpu.enqueue_dma source(%arg8 : memref<50x128xf32, #tpu.memory_space<vmem>>) target(%dma_start3A_95 : memref<50x128xf32, #tpu.memory_space<vmem_shared>>) target_semaphore(%run_scoped3A : memref<!tpu.dma_semaphore, #tpu.memory_space<semaphore_mem>>)
      %dma_wait3A = arith.constant 0 : i32
      %dma_wait3A_96 = tpu.memref_slice %arg12[%add3A_17, %dma_wait3A] : memref<10240x128xf32, #tpu.memory_space<vmem_shared>> -> memref<50x128xf32, #tpu.memory_space<vmem_shared>>
      %dma_wait3A_97 = arith.constant 0 : i32
      %dma_wait3A_98 = tpu.memref_slice %arg12[%add3A_17, %dma_wait3A_97] : memref<10240x128xf32, #tpu.memory_space<vmem_shared>> -> memref<50x128xf32, #tpu.memory_space<vmem_shared>>
      tpu.wait_dma2 semaphore(%run_scoped3A : memref<!tpu.dma_semaphore, #tpu.memory_space<semaphore_mem>>) src(%arg8 : memref<50x128xf32, #tpu.memory_space<vmem>>) dst(%dma_wait3A_98 : memref<50x128xf32, #tpu.memory_space<vmem_shared>>)
      tpu.yield
    }) : () -> ()
    %mul3A_18 = arith.constant 640 : i32
    %mul3A_19 = arith.muli %arg1, %mul3A_18 : i32
    %add3A_20 = arith.constant 150 : i32
    %add3A_21 = arith.addi %mul3A_19, %add3A_20 : i32
    "tpu.region"() ({
      %run_scoped3A = tpu.sem_alloc : memref<!tpu.dma_semaphore, #tpu.memory_space<semaphore_mem>>
      %dma_start3A_92 = arith.constant 0 : i32
      %dma_start3A_93 = tpu.memref_slice %arg12[%add3A_21, %dma_start3A_92] : memref<10240x128xf32, #tpu.memory_space<vmem_shared>> -> memref<50x128xf32, #tpu.memory_space<vmem_shared>>
      %dma_start3A_94 = arith.constant 0 : i32
      %dma_start3A_95 = tpu.memref_slice %arg12[%add3A_21, %dma_start3A_94] : memref<10240x128xf32, #tpu.memory_space<vmem_shared>> -> memref<50x128xf32, #tpu.memory_space<vmem_shared>>
      tpu.enqueue_dma source(%arg8 : memref<50x128xf32, #tpu.memory_space<vmem>>) target(%dma_start3A_95 : memref<50x128xf32, #tpu.memory_space<vmem_shared>>) target_semaphore(%run_scoped3A : memref<!tpu.dma_semaphore, #tpu.memory_space<semaphore_mem>>)
      %dma_wait3A = arith.constant 0 : i32
      %dma_wait3A_96 = tpu.memref_slice %arg12[%add3A_21, %dma_wait3A] : memref<10240x128xf32, #tpu.memory_space<vmem_shared>> -> memref<50x128xf32, #tpu.memory_space<vmem_shared>>
      %dma_wait3A_97 = arith.constant 0 : i32
      %dma_wait3A_98 = tpu.memref_slice %arg12[%add3A_21, %dma_wait3A_97] : memref<10240x128xf32, #tpu.memory_space<vmem_shared>> -> memref<50x128xf32, #tpu.memory_space<vmem_shared>>
      tpu.wait_dma2 semaphore(%run_scoped3A : memref<!tpu.dma_semaphore, #tpu.memory_space<semaphore_mem>>) src(%arg8 : memref<50x128xf32, #tpu.memory_space<vmem>>) dst(%dma_wait3A_98 : memref<50x128xf32, #tpu.memory_space<vmem_shared>>)
      tpu.yield
    }) : () -> ()
    %mul3A_22 = arith.constant 640 : i32
    %mul3A_23 = arith.muli %arg1, %mul3A_22 : i32
    %add3A_24 = arith.constant 200 : i32
    %add3A_25 = arith.addi %mul3A_23, %add3A_24 : i32
    "tpu.region"() ({
      %run_scoped3A = tpu.sem_alloc : memref<!tpu.dma_semaphore, #tpu.memory_space<semaphore_mem>>
      %dma_start3A_92 = arith.constant 0 : i32
      %dma_start3A_93 = tpu.memref_slice %arg12[%add3A_25, %dma_start3A_92] : memref<10240x128xf32, #tpu.memory_space<vmem_shared>> -> memref<50x128xf32, #tpu.memory_space<vmem_shared>>
      %dma_start3A_94 = arith.constant 0 : i32
      %dma_start3A_95 = tpu.memref_slice %arg12[%add3A_25, %dma_start3A_94] : memref<10240x128xf32, #tpu.memory_space<vmem_shared>> -> memref<50x128xf32, #tpu.memory_space<vmem_shared>>
      tpu.enqueue_dma source(%arg8 : memref<50x128xf32, #tpu.memory_space<vmem>>) target(%dma_start3A_95 : memref<50x128xf32, #tpu.memory_space<vmem_shared>>) target_semaphore(%run_scoped3A : memref<!tpu.dma_semaphore, #tpu.memory_space<semaphore_mem>>)
      %dma_wait3A = arith.constant 0 : i32
      %dma_wait3A_96 = tpu.memref_slice %arg12[%add3A_25, %dma_wait3A] : memref<10240x128xf32, #tpu.memory_space<vmem_shared>> -> memref<50x128xf32, #tpu.memory_space<vmem_shared>>
      %dma_wait3A_97 = arith.constant 0 : i32
      %dma_wait3A_98 = tpu.memref_slice %arg12[%add3A_25, %dma_wait3A_97] : memref<10240x128xf32, #tpu.memory_space<vmem_shared>> -> memref<50x128xf32, #tpu.memory_space<vmem_shared>>
      tpu.wait_dma2 semaphore(%run_scoped3A : memref<!tpu.dma_semaphore, #tpu.memory_space<semaphore_mem>>) src(%arg8 : memref<50x128xf32, #tpu.memory_space<vmem>>) dst(%dma_wait3A_98 : memref<50x128xf32, #tpu.memory_space<vmem_shared>>)
      tpu.yield
    }) : () -> ()
    %mul3A_26 = arith.constant 640 : i32
    %mul3A_27 = arith.muli %arg1, %mul3A_26 : i32
    %add3A_28 = arith.constant 250 : i32
    %add3A_29 = arith.addi %mul3A_27, %add3A_28 : i32
    "tpu.region"() ({
      %run_scoped3A = tpu.sem_alloc : memref<!tpu.dma_semaphore, #tpu.memory_space<semaphore_mem>>
      %dma_start3A_92 = arith.constant 0 : i32
      %dma_start3A_93 = tpu.memref_slice %arg12[%add3A_29, %dma_start3A_92] : memref<10240x128xf32, #tpu.memory_space<vmem_shared>> -> memref<50x128xf32, #tpu.memory_space<vmem_shared>>
      %dma_start3A_94 = arith.constant 0 : i32
      %dma_start3A_95 = tpu.memref_slice %arg12[%add3A_29, %dma_start3A_94] : memref<10240x128xf32, #tpu.memory_space<vmem_shared>> -> memref<50x128xf32, #tpu.memory_space<vmem_shared>>
      tpu.enqueue_dma source(%arg8 : memref<50x128xf32, #tpu.memory_space<vmem>>) target(%dma_start3A_95 : memref<50x128xf32, #tpu.memory_space<vmem_shared>>) target_semaphore(%run_scoped3A : memref<!tpu.dma_semaphore, #tpu.memory_space<semaphore_mem>>)
      %dma_wait3A = arith.constant 0 : i32
      %dma_wait3A_96 = tpu.memref_slice %arg12[%add3A_29, %dma_wait3A] : memref<10240x128xf32, #tpu.memory_space<vmem_shared>> -> memref<50x128xf32, #tpu.memory_space<vmem_shared>>
      %dma_wait3A_97 = arith.constant 0 : i32
      %dma_wait3A_98 = tpu.memref_slice %arg12[%add3A_29, %dma_wait3A_97] : memref<10240x128xf32, #tpu.memory_space<vmem_shared>> -> memref<50x128xf32, #tpu.memory_space<vmem_shared>>
      tpu.wait_dma2 semaphore(%run_scoped3A : memref<!tpu.dma_semaphore, #tpu.memory_space<semaphore_mem>>) src(%arg8 : memref<50x128xf32, #tpu.memory_space<vmem>>) dst(%dma_wait3A_98 : memref<50x128xf32, #tpu.memory_space<vmem_shared>>)
      tpu.yield
    }) : () -> ()
    %mul3A_30 = arith.constant 640 : i32
    %mul3A_31 = arith.muli %arg1, %mul3A_30 : i32
    %add3A_32 = arith.constant 300 : i32
    %add3A_33 = arith.addi %mul3A_31, %add3A_32 : i32
    "tpu.region"() ({
      %run_scoped3A = tpu.sem_alloc : memref<!tpu.dma_semaphore, #tpu.memory_space<semaphore_mem>>
      %dma_start3A_92 = arith.constant 0 : i32
      %dma_start3A_93 = tpu.memref_slice %arg12[%add3A_33, %dma_start3A_92] : memref<10240x128xf32, #tpu.memory_space<vmem_shared>> -> memref<50x128xf32, #tpu.memory_space<vmem_shared>>
      %dma_start3A_94 = arith.constant 0 : i32
      %dma_start3A_95 = tpu.memref_slice %arg12[%add3A_33, %dma_start3A_94] : memref<10240x128xf32, #tpu.memory_space<vmem_shared>> -> memref<50x128xf32, #tpu.memory_space<vmem_shared>>
      tpu.enqueue_dma source(%arg8 : memref<50x128xf32, #tpu.memory_space<vmem>>) target(%dma_start3A_95 : memref<50x128xf32, #tpu.memory_space<vmem_shared>>) target_semaphore(%run_scoped3A : memref<!tpu.dma_semaphore, #tpu.memory_space<semaphore_mem>>)
      %dma_wait3A = arith.constant 0 : i32
      %dma_wait3A_96 = tpu.memref_slice %arg12[%add3A_33, %dma_wait3A] : memref<10240x128xf32, #tpu.memory_space<vmem_shared>> -> memref<50x128xf32, #tpu.memory_space<vmem_shared>>
      %dma_wait3A_97 = arith.constant 0 : i32
      %dma_wait3A_98 = tpu.memref_slice %arg12[%add3A_33, %dma_wait3A_97] : memref<10240x128xf32, #tpu.memory_space<vmem_shared>> -> memref<50x128xf32, #tpu.memory_space<vmem_shared>>
      tpu.wait_dma2 semaphore(%run_scoped3A : memref<!tpu.dma_semaphore, #tpu.memory_space<semaphore_mem>>) src(%arg8 : memref<50x128xf32, #tpu.memory_space<vmem>>) dst(%dma_wait3A_98 : memref<50x128xf32, #tpu.memory_space<vmem_shared>>)
      tpu.yield
    }) : () -> ()
    %mul3A_34 = arith.constant 640 : i32
    %mul3A_35 = arith.muli %arg1, %mul3A_34 : i32
    %add3A_36 = arith.constant 350 : i32
    %add3A_37 = arith.addi %mul3A_35, %add3A_36 : i32
    "tpu.region"() ({
      %run_scoped3A = tpu.sem_alloc : memref<!tpu.dma_semaphore, #tpu.memory_space<semaphore_mem>>
      %dma_start3A_92 = arith.constant 0 : i32
      %dma_start3A_93 = tpu.memref_slice %arg12[%add3A_37, %dma_start3A_92] : memref<10240x128xf32, #tpu.memory_space<vmem_shared>> -> memref<50x128xf32, #tpu.memory_space<vmem_shared>>
      %dma_start3A_94 = arith.constant 0 : i32
      %dma_start3A_95 = tpu.memref_slice %arg12[%add3A_37, %dma_start3A_94] : memref<10240x128xf32, #tpu.memory_space<vmem_shared>> -> memref<50x128xf32, #tpu.memory_space<vmem_shared>>
      tpu.enqueue_dma source(%arg8 : memref<50x128xf32, #tpu.memory_space<vmem>>) target(%dma_start3A_95 : memref<50x128xf32, #tpu.memory_space<vmem_shared>>) target_semaphore(%run_scoped3A : memref<!tpu.dma_semaphore, #tpu.memory_space<semaphore_mem>>)
      %dma_wait3A = arith.constant 0 : i32
      %dma_wait3A_96 = tpu.memref_slice %arg12[%add3A_37, %dma_wait3A] : memref<10240x128xf32, #tpu.memory_space<vmem_shared>> -> memref<50x128xf32, #tpu.memory_space<vmem_shared>>
      %dma_wait3A_97 = arith.constant 0 : i32
      %dma_wait3A_98 = tpu.memref_slice %arg12[%add3A_37, %dma_wait3A_97] : memref<10240x128xf32, #tpu.memory_space<vmem_shared>> -> memref<50x128xf32, #tpu.memory_space<vmem_shared>>
      tpu.wait_dma2 semaphore(%run_scoped3A : memref<!tpu.dma_semaphore, #tpu.memory_space<semaphore_mem>>) src(%arg8 : memref<50x128xf32, #tpu.memory_space<vmem>>) dst(%dma_wait3A_98 : memref<50x128xf32, #tpu.memory_space<vmem_shared>>)
      tpu.yield
    }) : () -> ()
    %mul3A_38 = arith.constant 640 : i32
    %mul3A_39 = arith.muli %arg1, %mul3A_38 : i32
    %add3A_40 = arith.constant 400 : i32
    %add3A_41 = arith.addi %mul3A_39, %add3A_40 : i32
    "tpu.region"() ({
      %run_scoped3A = tpu.sem_alloc : memref<!tpu.dma_semaphore, #tpu.memory_space<semaphore_mem>>
      %dma_start3A_92 = arith.constant 0 : i32
      %dma_start3A_93 = tpu.memref_slice %arg12[%add3A_41, %dma_start3A_92] : memref<10240x128xf32, #tpu.memory_space<vmem_shared>> -> memref<50x128xf32, #tpu.memory_space<vmem_shared>>
      %dma_start3A_94 = arith.constant 0 : i32
      %dma_start3A_95 = tpu.memref_slice %arg12[%add3A_41, %dma_start3A_94] : memref<10240x128xf32, #tpu.memory_space<vmem_shared>> -> memref<50x128xf32, #tpu.memory_space<vmem_shared>>
      tpu.enqueue_dma source(%arg8 : memref<50x128xf32, #tpu.memory_space<vmem>>) target(%dma_start3A_95 : memref<50x128xf32, #tpu.memory_space<vmem_shared>>) target_semaphore(%run_scoped3A : memref<!tpu.dma_semaphore, #tpu.memory_space<semaphore_mem>>)
      %dma_wait3A = arith.constant 0 : i32
      %dma_wait3A_96 = tpu.memref_slice %arg12[%add3A_41, %dma_wait3A] : memref<10240x128xf32, #tpu.memory_space<vmem_shared>> -> memref<50x128xf32, #tpu.memory_space<vmem_shared>>
      %dma_wait3A_97 = arith.constant 0 : i32
      %dma_wait3A_98 = tpu.memref_slice %arg12[%add3A_41, %dma_wait3A_97] : memref<10240x128xf32, #tpu.memory_space<vmem_shared>> -> memref<50x128xf32, #tpu.memory_space<vmem_shared>>
      tpu.wait_dma2 semaphore(%run_scoped3A : memref<!tpu.dma_semaphore, #tpu.memory_space<semaphore_mem>>) src(%arg8 : memref<50x128xf32, #tpu.memory_space<vmem>>) dst(%dma_wait3A_98 : memref<50x128xf32, #tpu.memory_space<vmem_shared>>)
      tpu.yield
    }) : () -> ()
    %mul3A_42 = arith.constant 640 : i32
    %mul3A_43 = arith.muli %arg1, %mul3A_42 : i32
    %add3A_44 = arith.constant 450 : i32
    %add3A_45 = arith.addi %mul3A_43, %add3A_44 : i32
    "tpu.region"() ({
      %run_scoped3A = tpu.sem_alloc : memref<!tpu.dma_semaphore, #tpu.memory_space<semaphore_mem>>
      %dma_start3A_92 = arith.constant 0 : i32
      %dma_start3A_93 = tpu.memref_slice %arg12[%add3A_45, %dma_start3A_92] : memref<10240x128xf32, #tpu.memory_space<vmem_shared>> -> memref<50x128xf32, #tpu.memory_space<vmem_shared>>
      %dma_start3A_94 = arith.constant 0 : i32
      %dma_start3A_95 = tpu.memref_slice %arg12[%add3A_45, %dma_start3A_94] : memref<10240x128xf32, #tpu.memory_space<vmem_shared>> -> memref<50x128xf32, #tpu.memory_space<vmem_shared>>
      tpu.enqueue_dma source(%arg8 : memref<50x128xf32, #tpu.memory_space<vmem>>) target(%dma_start3A_95 : memref<50x128xf32, #tpu.memory_space<vmem_shared>>) target_semaphore(%run_scoped3A : memref<!tpu.dma_semaphore, #tpu.memory_space<semaphore_mem>>)
      %dma_wait3A = arith.constant 0 : i32
      %dma_wait3A_96 = tpu.memref_slice %arg12[%add3A_45, %dma_wait3A] : memref<10240x128xf32, #tpu.memory_space<vmem_shared>> -> memref<50x128xf32, #tpu.memory_space<vmem_shared>>
      %dma_wait3A_97 = arith.constant 0 : i32
      %dma_wait3A_98 = tpu.memref_slice %arg12[%add3A_45, %dma_wait3A_97] : memref<10240x128xf32, #tpu.memory_space<vmem_shared>> -> memref<50x128xf32, #tpu.memory_space<vmem_shared>>
      tpu.wait_dma2 semaphore(%run_scoped3A : memref<!tpu.dma_semaphore, #tpu.memory_space<semaphore_mem>>) src(%arg8 : memref<50x128xf32, #tpu.memory_space<vmem>>) dst(%dma_wait3A_98 : memref<50x128xf32, #tpu.memory_space<vmem_shared>>)
      tpu.yield
    }) : () -> ()
    %mul3A_46 = arith.constant 640 : i32
    %mul3A_47 = arith.muli %arg1, %mul3A_46 : i32
    %add3A_48 = arith.constant 500 : i32
    %add3A_49 = arith.addi %mul3A_47, %add3A_48 : i32
    "tpu.region"() ({
      %run_scoped3A = tpu.sem_alloc : memref<!tpu.dma_semaphore, #tpu.memory_space<semaphore_mem>>
      %dma_start3A_92 = arith.constant 0 : i32
      %dma_start3A_93 = tpu.memref_slice %arg12[%add3A_49, %dma_start3A_92] : memref<10240x128xf32, #tpu.memory_space<vmem_shared>> -> memref<50x128xf32, #tpu.memory_space<vmem_shared>>
      %dma_start3A_94 = arith.constant 0 : i32
      %dma_start3A_95 = tpu.memref_slice %arg12[%add3A_49, %dma_start3A_94] : memref<10240x128xf32, #tpu.memory_space<vmem_shared>> -> memref<50x128xf32, #tpu.memory_space<vmem_shared>>
      tpu.enqueue_dma source(%arg8 : memref<50x128xf32, #tpu.memory_space<vmem>>) target(%dma_start3A_95 : memref<50x128xf32, #tpu.memory_space<vmem_shared>>) target_semaphore(%run_scoped3A : memref<!tpu.dma_semaphore, #tpu.memory_space<semaphore_mem>>)
      %dma_wait3A = arith.constant 0 : i32
      %dma_wait3A_96 = tpu.memref_slice %arg12[%add3A_49, %dma_wait3A] : memref<10240x128xf32, #tpu.memory_space<vmem_shared>> -> memref<50x128xf32, #tpu.memory_space<vmem_shared>>
      %dma_wait3A_97 = arith.constant 0 : i32
      %dma_wait3A_98 = tpu.memref_slice %arg12[%add3A_49, %dma_wait3A_97] : memref<10240x128xf32, #tpu.memory_space<vmem_shared>> -> memref<50x128xf32, #tpu.memory_space<vmem_shared>>
      tpu.wait_dma2 semaphore(%run_scoped3A : memref<!tpu.dma_semaphore, #tpu.memory_space<semaphore_mem>>) src(%arg8 : memref<50x128xf32, #tpu.memory_space<vmem>>) dst(%dma_wait3A_98 : memref<50x128xf32, #tpu.memory_space<vmem_shared>>)
      tpu.yield
    }) : () -> ()
    %mul3A_50 = arith.constant 640 : i32
    %mul3A_51 = arith.muli %arg1, %mul3A_50 : i32
    %add3A_52 = arith.constant 550 : i32
    %add3A_53 = arith.addi %mul3A_51, %add3A_52 : i32
    "tpu.region"() ({
      %run_scoped3A = tpu.sem_alloc : memref<!tpu.dma_semaphore, #tpu.memory_space<semaphore_mem>>
      %dma_start3A_92 = arith.constant 0 : i32
      %dma_start3A_93 = tpu.memref_slice %arg12[%add3A_53, %dma_start3A_92] : memref<10240x128xf32, #tpu.memory_space<vmem_shared>> -> memref<50x128xf32, #tpu.memory_space<vmem_shared>>
      %dma_start3A_94 = arith.constant 0 : i32
      %dma_start3A_95 = tpu.memref_slice %arg12[%add3A_53, %dma_start3A_94] : memref<10240x128xf32, #tpu.memory_space<vmem_shared>> -> memref<50x128xf32, #tpu.memory_space<vmem_shared>>
      tpu.enqueue_dma source(%arg8 : memref<50x128xf32, #tpu.memory_space<vmem>>) target(%dma_start3A_95 : memref<50x128xf32, #tpu.memory_space<vmem_shared>>) target_semaphore(%run_scoped3A : memref<!tpu.dma_semaphore, #tpu.memory_space<semaphore_mem>>)
      %dma_wait3A = arith.constant 0 : i32
      %dma_wait3A_96 = tpu.memref_slice %arg12[%add3A_53, %dma_wait3A] : memref<10240x128xf32, #tpu.memory_space<vmem_shared>> -> memref<50x128xf32, #tpu.memory_space<vmem_shared>>
      %dma_wait3A_97 = arith.constant 0 : i32
      %dma_wait3A_98 = tpu.memref_slice %arg12[%add3A_53, %dma_wait3A_97] : memref<10240x128xf32, #tpu.memory_space<vmem_shared>> -> memref<50x128xf32, #tpu.memory_space<vmem_shared>>
      tpu.wait_dma2 semaphore(%run_scoped3A : memref<!tpu.dma_semaphore, #tpu.memory_space<semaphore_mem>>) src(%arg8 : memref<50x128xf32, #tpu.memory_space<vmem>>) dst(%dma_wait3A_98 : memref<50x128xf32, #tpu.memory_space<vmem_shared>>)
      tpu.yield
    }) : () -> ()
    %mul3A_54 = arith.constant 640 : i32
    %mul3A_55 = arith.muli %arg1, %mul3A_54 : i32
    %add3A_56 = arith.constant 640 : i32
    %add3A_57 = arith.addi %mul3A_55, %add3A_56 : i32
    %sub3A = arith.constant 40 : i32
    %sub3A_58 = arith.subi %add3A_57, %sub3A : i32
    "tpu.region"() ({
      %run_scoped3A = tpu.sem_alloc : memref<!tpu.dma_semaphore, #tpu.memory_space<semaphore_mem>>
      %dma_start3A_92 = arith.constant 0 : i32
      %dma_start3A_93 = arith.constant 0 : i32
      %dma_start3A_94 = tpu.memref_slice %arg8[%dma_start3A_92, %dma_start3A_93] : memref<50x128xf32, #tpu.memory_space<vmem>> -> memref<40x128xf32, #tpu.memory_space<vmem>>
      %dma_start3A_95 = arith.constant 0 : i32
      %dma_start3A_96 = tpu.memref_slice %arg12[%sub3A_58, %dma_start3A_95] : memref<10240x128xf32, #tpu.memory_space<vmem_shared>> -> memref<40x128xf32, #tpu.memory_space<vmem_shared>>
      %dma_start3A_97 = arith.constant 0 : i32
      %dma_start3A_98 = tpu.memref_slice %arg12[%sub3A_58, %dma_start3A_97] : memref<10240x128xf32, #tpu.memory_space<vmem_shared>> -> memref<40x128xf32, #tpu.memory_space<vmem_shared>>
      %dma_start3A_99 = arith.constant 0 : i32
      %dma_start3A_100 = arith.constant 0 : i32
      %dma_start3A_101 = tpu.memref_slice %arg8[%dma_start3A_99, %dma_start3A_100] : memref<50x128xf32, #tpu.memory_space<vmem>> -> memref<40x128xf32, #tpu.memory_space<vmem>>
      tpu.enqueue_dma source(%dma_start3A_101 : memref<40x128xf32, #tpu.memory_space<vmem>>) target(%dma_start3A_98 : memref<40x128xf32, #tpu.memory_space<vmem_shared>>) target_semaphore(%run_scoped3A : memref<!tpu.dma_semaphore, #tpu.memory_space<semaphore_mem>>)
      %dma_wait3A = arith.constant 0 : i32
      %dma_wait3A_102 = arith.constant 0 : i32
      %dma_wait3A_103 = tpu.memref_slice %arg8[%dma_wait3A, %dma_wait3A_102] : memref<50x128xf32, #tpu.memory_space<vmem>> -> memref<40x128xf32, #tpu.memory_space<vmem>>
      %dma_wait3A_104 = arith.constant 0 : i32
      %dma_wait3A_105 = tpu.memref_slice %arg12[%sub3A_58, %dma_wait3A_104] : memref<10240x128xf32, #tpu.memory_space<vmem_shared>> -> memref<40x128xf32, #tpu.memory_space<vmem_shared>>
      %dma_wait3A_106 = arith.constant 0 : i32
      %dma_wait3A_107 = tpu.memref_slice %arg12[%sub3A_58, %dma_wait3A_106] : memref<10240x128xf32, #tpu.memory_space<vmem_shared>> -> memref<40x128xf32, #tpu.memory_space<vmem_shared>>
      %dma_wait3A_108 = arith.constant 0 : i32
      %dma_wait3A_109 = arith.constant 0 : i32
      %dma_wait3A_110 = tpu.memref_slice %arg8[%dma_wait3A_108, %dma_wait3A_109] : memref<50x128xf32, #tpu.memory_space<vmem>> -> memref<40x128xf32, #tpu.memory_space<vmem>>
      tpu.wait_dma2 semaphore(%run_scoped3A : memref<!tpu.dma_semaphore, #tpu.memory_space<semaphore_mem>>) src(%dma_wait3A_110 : memref<40x128xf32, #tpu.memory_space<vmem>>) dst(%dma_wait3A_107 : memref<40x128xf32, #tpu.memory_space<vmem_shared>>)
      tpu.yield
    }) : () -> ()
    "tpu.region"() ({
      %run_scoped3A = tpu.sem_alloc : memref<!tpu.dma_semaphore, #tpu.memory_space<semaphore_mem>>
      %dma_start3A_92 = arith.constant 0 : i32
      %dma_start3A_93 = arith.constant 0 : i32
      %dma_start3A_94 = tpu.memref_slice %arg3[%add3A, %dma_start3A_92, %dma_start3A_93] : memref<32x200x50xi32, #tpu.memory_space<hbm>> -> memref<1x200x50xi32, #tpu.memory_space<hbm>>
      %dma_start3A_95 = tpu.memref_squeeze %dma_start3A_94 : memref<1x200x50xi32, #tpu.memory_space<hbm>> -> memref<200x50xi32, #tpu.memory_space<hbm>>
      %dma_start3A_96 = arith.constant 0 : i32
      %dma_start3A_97 = arith.constant 0 : i32
      %dma_start3A_98 = tpu.memref_slice %arg3[%add3A, %dma_start3A_96, %dma_start3A_97] : memref<32x200x50xi32, #tpu.memory_space<hbm>> -> memref<1x200x50xi32, #tpu.memory_space<hbm>>
      %dma_start3A_99 = tpu.memref_squeeze %dma_start3A_98 : memref<1x200x50xi32, #tpu.memory_space<hbm>> -> memref<200x50xi32, #tpu.memory_space<hbm>>
      tpu.enqueue_dma source(%dma_start3A_99 : memref<200x50xi32, #tpu.memory_space<hbm>>) target(%arg6 : memref<200x50xi32, #tpu.memory_space<vmem>>) target_semaphore(%run_scoped3A : memref<!tpu.dma_semaphore, #tpu.memory_space<semaphore_mem>>)
      %dma_wait3A = arith.constant 0 : i32
      %dma_wait3A_100 = arith.constant 0 : i32
      %dma_wait3A_101 = tpu.memref_slice %arg3[%add3A, %dma_wait3A, %dma_wait3A_100] : memref<32x200x50xi32, #tpu.memory_space<hbm>> -> memref<1x200x50xi32, #tpu.memory_space<hbm>>
      %dma_wait3A_102 = tpu.memref_squeeze %dma_wait3A_101 : memref<1x200x50xi32, #tpu.memory_space<hbm>> -> memref<200x50xi32, #tpu.memory_space<hbm>>
      %dma_wait3A_103 = arith.constant 0 : i32
      %dma_wait3A_104 = arith.constant 0 : i32
      %dma_wait3A_105 = tpu.memref_slice %arg3[%add3A, %dma_wait3A_103, %dma_wait3A_104] : memref<32x200x50xi32, #tpu.memory_space<hbm>> -> memref<1x200x50xi32, #tpu.memory_space<hbm>>
      %dma_wait3A_106 = tpu.memref_squeeze %dma_wait3A_105 : memref<1x200x50xi32, #tpu.memory_space<hbm>> -> memref<200x50xi32, #tpu.memory_space<hbm>>
      tpu.wait_dma2 semaphore(%run_scoped3A : memref<!tpu.dma_semaphore, #tpu.memory_space<semaphore_mem>>) src(%dma_wait3A_106 : memref<200x50xi32, #tpu.memory_space<hbm>>) dst(%arg6 : memref<200x50xi32, #tpu.memory_space<vmem>>)
      tpu.yield
    }) : () -> ()
    "tpu.region"() ({
      %run_scoped3A = tpu.sem_alloc : memref<!tpu.dma_semaphore, #tpu.memory_space<semaphore_mem>>
      %dma_start3A_92 = arith.constant 0 : i32
      %dma_start3A_93 = arith.constant 0 : i32
      %dma_start3A_94 = tpu.memref_slice %arg4[%add3A, %dma_start3A_92, %dma_start3A_93] : memref<32x200x50xi32, #tpu.memory_space<hbm>> -> memref<1x200x50xi32, #tpu.memory_space<hbm>>
      %dma_start3A_95 = tpu.memref_squeeze %dma_start3A_94 : memref<1x200x50xi32, #tpu.memory_space<hbm>> -> memref<200x50xi32, #tpu.memory_space<hbm>>
      %dma_start3A_96 = arith.constant 0 : i32
      %dma_start3A_97 = arith.constant 0 : i32
      %dma_start3A_98 = tpu.memref_slice %arg4[%add3A, %dma_start3A_96, %dma_start3A_97] : memref<32x200x50xi32, #tpu.memory_space<hbm>> -> memref<1x200x50xi32, #tpu.memory_space<hbm>>
      %dma_start3A_99 = tpu.memref_squeeze %dma_start3A_98 : memref<1x200x50xi32, #tpu.memory_space<hbm>> -> memref<200x50xi32, #tpu.memory_space<hbm>>
      tpu.enqueue_dma source(%dma_start3A_99 : memref<200x50xi32, #tpu.memory_space<hbm>>) target(%arg7 : memref<200x50xi32, #tpu.memory_space<vmem>>) target_semaphore(%run_scoped3A : memref<!tpu.dma_semaphore, #tpu.memory_space<semaphore_mem>>)
      %dma_wait3A = arith.constant 0 : i32
      %dma_wait3A_100 = arith.constant 0 : i32
      %dma_wait3A_101 = tpu.memref_slice %arg4[%add3A, %dma_wait3A, %dma_wait3A_100] : memref<32x200x50xi32, #tpu.memory_space<hbm>> -> memref<1x200x50xi32, #tpu.memory_space<hbm>>
      %dma_wait3A_102 = tpu.memref_squeeze %dma_wait3A_101 : memref<1x200x50xi32, #tpu.memory_space<hbm>> -> memref<200x50xi32, #tpu.memory_space<hbm>>
      %dma_wait3A_103 = arith.constant 0 : i32
      %dma_wait3A_104 = arith.constant 0 : i32
      %dma_wait3A_105 = tpu.memref_slice %arg4[%add3A, %dma_wait3A_103, %dma_wait3A_104] : memref<32x200x50xi32, #tpu.memory_space<hbm>> -> memref<1x200x50xi32, #tpu.memory_space<hbm>>
      %dma_wait3A_106 = tpu.memref_squeeze %dma_wait3A_105 : memref<1x200x50xi32, #tpu.memory_space<hbm>> -> memref<200x50xi32, #tpu.memory_space<hbm>>
      tpu.wait_dma2 semaphore(%run_scoped3A : memref<!tpu.dma_semaphore, #tpu.memory_space<semaphore_mem>>) src(%dma_wait3A_106 : memref<200x50xi32, #tpu.memory_space<hbm>>) dst(%arg7 : memref<200x50xi32, #tpu.memory_space<vmem>>)
      tpu.yield
    }) : () -> ()
    %barrier3A = arith.constant 0 : index
    tpu.barrier barrier_id(%barrier3A)
    %dma_start3A = arith.constant 0 : i32
    %dma_start3A_59 = arith.constant 0 : i32
    %dma_start3A_60 = tpu.memref_slice %arg6[%dma_start3A, %dma_start3A_59] : memref<200x50xi32, #tpu.memory_space<vmem>> -> memref<1x50xi32, #tpu.memory_space<vmem>>
    %dma_start3A_61 = tpu.memref_squeeze %dma_start3A_60 : memref<1x50xi32, #tpu.memory_space<vmem>> -> memref<50xi32, #tpu.memory_space<vmem>>
    %dma_start3A_62 = arith.constant 0 : i32
    %dma_start3A_63 = arith.constant 0 : i32
    %dma_start3A_64 = tpu.memref_slice %arg2[%dma_start3A_62, %dma_start3A_63] : memref<10000x128xf32, #tpu.memory_space<hbm>> -> memref<10000x128xf32, #tpu.memory_space<hbm>>
    tpu.enqueue_indirect_dma source(%dma_start3A_64 : memref<10000x128xf32, #tpu.memory_space<hbm>>) target(%arg8 : memref<50x128xf32, #tpu.memory_space<vmem>>) offsets(%dma_start3A_61 : memref<50xi32, #tpu.memory_space<vmem>>) semaphore(%arg13 : memref<!tpu.dma_semaphore, #tpu.memory_space<semaphore_mem>>)
    %dma_start3A_65 = arith.constant 1 : i32
    %dma_start3A_66 = arith.constant 0 : i32
    %dma_start3A_67 = tpu.memref_slice %arg6[%dma_start3A_65, %dma_start3A_66] : memref<200x50xi32, #tpu.memory_space<vmem>> -> memref<1x50xi32, #tpu.memory_space<vmem>>
    %dma_start3A_68 = tpu.memref_squeeze %dma_start3A_67 : memref<1x50xi32, #tpu.memory_space<vmem>> -> memref<50xi32, #tpu.memory_space<vmem>>
    %dma_start3A_69 = arith.constant 0 : i32
    %dma_start3A_70 = arith.constant 0 : i32
    %dma_start3A_71 = tpu.memref_slice %arg2[%dma_start3A_69, %dma_start3A_70] : memref<10000x128xf32, #tpu.memory_space<hbm>> -> memref<10000x128xf32, #tpu.memory_space<hbm>>
    tpu.enqueue_indirect_dma source(%dma_start3A_71 : memref<10000x128xf32, #tpu.memory_space<hbm>>) target(%arg9 : memref<50x128xf32, #tpu.memory_space<vmem>>) offsets(%dma_start3A_68 : memref<50xi32, #tpu.memory_space<vmem>>) semaphore(%arg14 : memref<!tpu.dma_semaphore, #tpu.memory_space<semaphore_mem>>)
    %dma_start3A_72 = arith.constant 2 : i32
    %dma_start3A_73 = arith.constant 0 : i32
    %dma_start3A_74 = tpu.memref_slice %arg6[%dma_start3A_72, %dma_start3A_73] : memref<200x50xi32, #tpu.memory_space<vmem>> -> memref<1x50xi32, #tpu.memory_space<vmem>>
    %dma_start3A_75 = tpu.memref_squeeze %dma_start3A_74 : memref<1x50xi32, #tpu.memory_space<vmem>> -> memref<50xi32, #tpu.memory_space<vmem>>
    %dma_start3A_76 = arith.constant 0 : i32
    %dma_start3A_77 = arith.constant 0 : i32
    %dma_start3A_78 = tpu.memref_slice %arg2[%dma_start3A_76, %dma_start3A_77] : memref<10000x128xf32, #tpu.memory_space<hbm>> -> memref<10000x128xf32, #tpu.memory_space<hbm>>
    tpu.enqueue_indirect_dma source(%dma_start3A_78 : memref<10000x128xf32, #tpu.memory_space<hbm>>) target(%arg10 : memref<50x128xf32, #tpu.memory_space<vmem>>) offsets(%dma_start3A_75 : memref<50xi32, #tpu.memory_space<vmem>>) semaphore(%arg15 : memref<!tpu.dma_semaphore, #tpu.memory_space<semaphore_mem>>)
    %scan3A_79 = arith.constant 0 : i32
    %scan3A_80 = arith.constant 50 : i32
    %scan3A_81 = arith.addi %scan3A_79, %scan3A_80 : i32
    %scan3A_82 = arith.constant 1 : i32
    scf.for %scan3A_92 = %scan3A_79 to %scan3A_81 step %scan3A_82  : i32 {
      %mul3A_93 = arith.constant 1 : i32
      %mul3A_94 = arith.muli %scan3A_92, %mul3A_93 : i32
      %add3A_95 = arith.constant 0 : i32
      %add3A_96 = arith.addi %add3A_95, %mul3A_94 : i32
      %mul3A_97 = arith.constant 4 : i32
      %mul3A_98 = arith.muli %add3A_96, %mul3A_97 : i32
      %add3A_99 = arith.constant 0 : i32
      %add3A_100 = arith.addi %mul3A_98, %add3A_99 : i32
      %dma_wait3A = arith.constant 0 : i32
      %dma_wait3A_101 = tpu.memref_slice %arg6[%add3A_100, %dma_wait3A] : memref<200x50xi32, #tpu.memory_space<vmem>> -> memref<1x50xi32, #tpu.memory_space<vmem>>
      %dma_wait3A_102 = tpu.memref_squeeze %dma_wait3A_101 : memref<1x50xi32, #tpu.memory_space<vmem>> -> memref<50xi32, #tpu.memory_space<vmem>>
      %dma_wait3A_103 = arith.constant 0 : i32
      %dma_wait3A_104 = arith.constant 0 : i32
      %dma_wait3A_105 = tpu.memref_slice %arg2[%dma_wait3A_103, %dma_wait3A_104] : memref<10000x128xf32, #tpu.memory_space<hbm>> -> memref<10000x128xf32, #tpu.memory_space<hbm>>
      tpu.wait_indirect_dma semaphore(%arg13 : memref<!tpu.dma_semaphore, #tpu.memory_space<semaphore_mem>>) src(%dma_wait3A_105 : memref<10000x128xf32, #tpu.memory_space<hbm>>) dst(%arg8 : memref<50x128xf32, #tpu.memory_space<vmem>>)
      %add3A_106 = arith.constant 0 : i32
      %add3A_107 = arith.addi %mul3A_98, %add3A_106 : i32
      %add3A_108 = arith.constant 4 : i32
      %add3A_109 = arith.addi %add3A_107, %add3A_108 : i32
      %sub3A_110 = arith.constant 1 : i32
      %sub3A_111 = arith.subi %add3A_109, %sub3A_110 : i32
      %lt3A = arith.constant 200 : i32
      %lt3A_112 = arith.cmpi slt, %sub3A_111, %lt3A : i32
      %convert_element_type3A = arith.extui %lt3A_112 : i1 to i32
      %cond3A = arith.constant 0 : i32
      %cond3A_113 = arith.cmpi ne, %convert_element_type3A, %cond3A : i32
      scf.if %cond3A_113 {
        %dma_start3A_179 = arith.constant 0 : i32
        %dma_start3A_180 = tpu.memref_slice %arg6[%sub3A_111, %dma_start3A_179] : memref<200x50xi32, #tpu.memory_space<vmem>> -> memref<1x50xi32, #tpu.memory_space<vmem>>
        %dma_start3A_181 = tpu.memref_squeeze %dma_start3A_180 : memref<1x50xi32, #tpu.memory_space<vmem>> -> memref<50xi32, #tpu.memory_space<vmem>>
        %dma_start3A_182 = arith.constant 0 : i32
        %dma_start3A_183 = arith.constant 0 : i32
        %dma_start3A_184 = tpu.memref_slice %arg2[%dma_start3A_182, %dma_start3A_183] : memref<10000x128xf32, #tpu.memory_space<hbm>> -> memref<10000x128xf32, #tpu.memory_space<hbm>>
        tpu.enqueue_indirect_dma source(%dma_start3A_184 : memref<10000x128xf32, #tpu.memory_space<hbm>>) target(%arg11 : memref<50x128xf32, #tpu.memory_space<vmem>>) offsets(%dma_start3A_181 : memref<50xi32, #tpu.memory_space<vmem>>) semaphore(%arg16 : memref<!tpu.dma_semaphore, #tpu.memory_space<semaphore_mem>>)
      } else {
      }
      %add3A_114 = arith.constant 0 : i32
      %add3A_115 = arith.addi %mul3A_98, %add3A_114 : i32
      "tpu.region"() ({
        %run_scoped3A = tpu.sem_alloc : memref<!tpu.dma_semaphore, #tpu.memory_space<semaphore_mem>>
        %dma_start3A_179 = arith.constant 0 : i32
        %dma_start3A_180 = tpu.memref_slice %arg7[%add3A_115, %dma_start3A_179] : memref<200x50xi32, #tpu.memory_space<vmem>> -> memref<1x50xi32, #tpu.memory_space<vmem>>
        %dma_start3A_181 = tpu.memref_squeeze %dma_start3A_180 : memref<1x50xi32, #tpu.memory_space<vmem>> -> memref<50xi32, #tpu.memory_space<vmem>>
        %dma_start3A_182 = arith.constant 0 : i32
        %dma_start3A_183 = arith.constant 0 : i32
        %dma_start3A_184 = tpu.memref_slice %arg12[%dma_start3A_182, %dma_start3A_183] : memref<10240x128xf32, #tpu.memory_space<vmem_shared>> -> memref<10240x128xf32, #tpu.memory_space<vmem_shared>>
        tpu.enqueue_indirect_dma source(%arg8 : memref<50x128xf32, #tpu.memory_space<vmem>>) target(%dma_start3A_184 : memref<10240x128xf32, #tpu.memory_space<vmem_shared>>) offsets(%dma_start3A_181 : memref<50xi32, #tpu.memory_space<vmem>>) semaphore(%run_scoped3A : memref<!tpu.dma_semaphore, #tpu.memory_space<semaphore_mem>>) {add = true}
        %dma_wait3A_185 = arith.constant 0 : i32
        %dma_wait3A_186 = tpu.memref_slice %arg7[%add3A_115, %dma_wait3A_185] : memref<200x50xi32, #tpu.memory_space<vmem>> -> memref<1x50xi32, #tpu.memory_space<vmem>>
        %dma_wait3A_187 = tpu.memref_squeeze %dma_wait3A_186 : memref<1x50xi32, #tpu.memory_space<vmem>> -> memref<50xi32, #tpu.memory_space<vmem>>
        %dma_wait3A_188 = arith.constant 0 : i32
        %dma_wait3A_189 = arith.constant 0 : i32
        %dma_wait3A_190 = tpu.memref_slice %arg12[%dma_wait3A_188, %dma_wait3A_189] : memref<10240x128xf32, #tpu.memory_space<vmem_shared>> -> memref<10240x128xf32, #tpu.memory_space<vmem_shared>>
        tpu.wait_indirect_dma semaphore(%run_scoped3A : memref<!tpu.dma_semaphore, #tpu.memory_space<semaphore_mem>>) src(%arg8 : memref<50x128xf32, #tpu.memory_space<vmem>>) dst(%dma_wait3A_190 : memref<10240x128xf32, #tpu.memory_space<vmem_shared>>)
        tpu.yield
      }) : () -> ()
      %add3A_116 = arith.constant 1 : i32
      %add3A_117 = arith.addi %mul3A_98, %add3A_116 : i32
      %dma_wait3A_118 = arith.constant 0 : i32
      %dma_wait3A_119 = tpu.memref_slice %arg6[%add3A_117, %dma_wait3A_118] : memref<200x50xi32, #tpu.memory_space<vmem>> -> memref<1x50xi32, #tpu.memory_space<vmem>>
      %dma_wait3A_120 = tpu.memref_squeeze %dma_wait3A_119 : memref<1x50xi32, #tpu.memory_space<vmem>> -> memref<50xi32, #tpu.memory_space<vmem>>
      %dma_wait3A_121 = arith.constant 0 : i32
      %dma_wait3A_122 = arith.constant 0 : i32
      %dma_wait3A_123 = tpu.memref_slice %arg2[%dma_wait3A_121, %dma_wait3A_122] : memref<10000x128xf32, #tpu.memory_space<hbm>> -> memref<10000x128xf32, #tpu.memory_space<hbm>>
      tpu.wait_indirect_dma semaphore(%arg14 : memref<!tpu.dma_semaphore, #tpu.memory_space<semaphore_mem>>) src(%dma_wait3A_123 : memref<10000x128xf32, #tpu.memory_space<hbm>>) dst(%arg9 : memref<50x128xf32, #tpu.memory_space<vmem>>)
      %add3A_124 = arith.constant 1 : i32
      %add3A_125 = arith.addi %mul3A_98, %add3A_124 : i32
      %add3A_126 = arith.constant 4 : i32
      %add3A_127 = arith.addi %add3A_125, %add3A_126 : i32
      %sub3A_128 = arith.constant 1 : i32
      %sub3A_129 = arith.subi %add3A_127, %sub3A_128 : i32
      %lt3A_130 = arith.constant 200 : i32
      %lt3A_131 = arith.cmpi slt, %sub3A_129, %lt3A_130 : i32
      %convert_element_type3A_132 = arith.extui %lt3A_131 : i1 to i32
      %cond3A_133 = arith.constant 0 : i32
      %cond3A_134 = arith.cmpi ne, %convert_element_type3A_132, %cond3A_133 : i32
      scf.if %cond3A_134 {
        %dma_start3A_179 = arith.constant 0 : i32
        %dma_start3A_180 = tpu.memref_slice %arg6[%sub3A_129, %dma_start3A_179] : memref<200x50xi32, #tpu.memory_space<vmem>> -> memref<1x50xi32, #tpu.memory_space<vmem>>
        %dma_start3A_181 = tpu.memref_squeeze %dma_start3A_180 : memref<1x50xi32, #tpu.memory_space<vmem>> -> memref<50xi32, #tpu.memory_space<vmem>>
        %dma_start3A_182 = arith.constant 0 : i32
        %dma_start3A_183 = arith.constant 0 : i32
        %dma_start3A_184 = tpu.memref_slice %arg2[%dma_start3A_182, %dma_start3A_183] : memref<10000x128xf32, #tpu.memory_space<hbm>> -> memref<10000x128xf32, #tpu.memory_space<hbm>>
        tpu.enqueue_indirect_dma source(%dma_start3A_184 : memref<10000x128xf32, #tpu.memory_space<hbm>>) target(%arg8 : memref<50x128xf32, #tpu.memory_space<vmem>>) offsets(%dma_start3A_181 : memref<50xi32, #tpu.memory_space<vmem>>) semaphore(%arg13 : memref<!tpu.dma_semaphore, #tpu.memory_space<semaphore_mem>>)
      } else {
      }
      %add3A_135 = arith.constant 1 : i32
      %add3A_136 = arith.addi %mul3A_98, %add3A_135 : i32
      "tpu.region"() ({
        %run_scoped3A = tpu.sem_alloc : memref<!tpu.dma_semaphore, #tpu.memory_space<semaphore_mem>>
        %dma_start3A_179 = arith.constant 0 : i32
        %dma_start3A_180 = tpu.memref_slice %arg7[%add3A_136, %dma_start3A_179] : memref<200x50xi32, #tpu.memory_space<vmem>> -> memref<1x50xi32, #tpu.memory_space<vmem>>
        %dma_start3A_181 = tpu.memref_squeeze %dma_start3A_180 : memref<1x50xi32, #tpu.memory_space<vmem>> -> memref<50xi32, #tpu.memory_space<vmem>>
        %dma_start3A_182 = arith.constant 0 : i32
        %dma_start3A_183 = arith.constant 0 : i32
        %dma_start3A_184 = tpu.memref_slice %arg12[%dma_start3A_182, %dma_start3A_183] : memref<10240x128xf32, #tpu.memory_space<vmem_shared>> -> memref<10240x128xf32, #tpu.memory_space<vmem_shared>>
        tpu.enqueue_indirect_dma source(%arg9 : memref<50x128xf32, #tpu.memory_space<vmem>>) target(%dma_start3A_184 : memref<10240x128xf32, #tpu.memory_space<vmem_shared>>) offsets(%dma_start3A_181 : memref<50xi32, #tpu.memory_space<vmem>>) semaphore(%run_scoped3A : memref<!tpu.dma_semaphore, #tpu.memory_space<semaphore_mem>>) {add = true}
        %dma_wait3A_185 = arith.constant 0 : i32
        %dma_wait3A_186 = tpu.memref_slice %arg7[%add3A_136, %dma_wait3A_185] : memref<200x50xi32, #tpu.memory_space<vmem>> -> memref<1x50xi32, #tpu.memory_space<vmem>>
        %dma_wait3A_187 = tpu.memref_squeeze %dma_wait3A_186 : memref<1x50xi32, #tpu.memory_space<vmem>> -> memref<50xi32, #tpu.memory_space<vmem>>
        %dma_wait3A_188 = arith.constant 0 : i32
        %dma_wait3A_189 = arith.constant 0 : i32
        %dma_wait3A_190 = tpu.memref_slice %arg12[%dma_wait3A_188, %dma_wait3A_189] : memref<10240x128xf32, #tpu.memory_space<vmem_shared>> -> memref<10240x128xf32, #tpu.memory_space<vmem_shared>>
        tpu.wait_indirect_dma semaphore(%run_scoped3A : memref<!tpu.dma_semaphore, #tpu.memory_space<semaphore_mem>>) src(%arg9 : memref<50x128xf32, #tpu.memory_space<vmem>>) dst(%dma_wait3A_190 : memref<10240x128xf32, #tpu.memory_space<vmem_shared>>)
        tpu.yield
      }) : () -> ()
      %add3A_137 = arith.constant 2 : i32
      %add3A_138 = arith.addi %mul3A_98, %add3A_137 : i32
      %dma_wait3A_139 = arith.constant 0 : i32
      %dma_wait3A_140 = tpu.memref_slice %arg6[%add3A_138, %dma_wait3A_139] : memref<200x50xi32, #tpu.memory_space<vmem>> -> memref<1x50xi32, #tpu.memory_space<vmem>>
      %dma_wait3A_141 = tpu.memref_squeeze %dma_wait3A_140 : memref<1x50xi32, #tpu.memory_space<vmem>> -> memref<50xi32, #tpu.memory_space<vmem>>
      %dma_wait3A_142 = arith.constant 0 : i32
      %dma_wait3A_143 = arith.constant 0 : i32
      %dma_wait3A_144 = tpu.memref_slice %arg2[%dma_wait3A_142, %dma_wait3A_143] : memref<10000x128xf32, #tpu.memory_space<hbm>> -> memref<10000x128xf32, #tpu.memory_space<hbm>>
      tpu.wait_indirect_dma semaphore(%arg15 : memref<!tpu.dma_semaphore, #tpu.memory_space<semaphore_mem>>) src(%dma_wait3A_144 : memref<10000x128xf32, #tpu.memory_space<hbm>>) dst(%arg10 : memref<50x128xf32, #tpu.memory_space<vmem>>)
      %add3A_145 = arith.constant 2 : i32
      %add3A_146 = arith.addi %mul3A_98, %add3A_145 : i32
      %add3A_147 = arith.constant 4 : i32
      %add3A_148 = arith.addi %add3A_146, %add3A_147 : i32
      %sub3A_149 = arith.constant 1 : i32
      %sub3A_150 = arith.subi %add3A_148, %sub3A_149 : i32
      %lt3A_151 = arith.constant 200 : i32
      %lt3A_152 = arith.cmpi slt, %sub3A_150, %lt3A_151 : i32
      %convert_element_type3A_153 = arith.extui %lt3A_152 : i1 to i32
      %cond3A_154 = arith.constant 0 : i32
      %cond3A_155 = arith.cmpi ne, %convert_element_type3A_153, %cond3A_154 : i32
      scf.if %cond3A_155 {
        %dma_start3A_179 = arith.constant 0 : i32
        %dma_start3A_180 = tpu.memref_slice %arg6[%sub3A_150, %dma_start3A_179] : memref<200x50xi32, #tpu.memory_space<vmem>> -> memref<1x50xi32, #tpu.memory_space<vmem>>
        %dma_start3A_181 = tpu.memref_squeeze %dma_start3A_180 : memref<1x50xi32, #tpu.memory_space<vmem>> -> memref<50xi32, #tpu.memory_space<vmem>>
        %dma_start3A_182 = arith.constant 0 : i32
        %dma_start3A_183 = arith.constant 0 : i32
        %dma_start3A_184 = tpu.memref_slice %arg2[%dma_start3A_182, %dma_start3A_183] : memref<10000x128xf32, #tpu.memory_space<hbm>> -> memref<10000x128xf32, #tpu.memory_space<hbm>>
        tpu.enqueue_indirect_dma source(%dma_start3A_184 : memref<10000x128xf32, #tpu.memory_space<hbm>>) target(%arg9 : memref<50x128xf32, #tpu.memory_space<vmem>>) offsets(%dma_start3A_181 : memref<50xi32, #tpu.memory_space<vmem>>) semaphore(%arg14 : memref<!tpu.dma_semaphore, #tpu.memory_space<semaphore_mem>>)
      } else {
      }
      %add3A_156 = arith.constant 2 : i32
      %add3A_157 = arith.addi %mul3A_98, %add3A_156 : i32
      "tpu.region"() ({
        %run_scoped3A = tpu.sem_alloc : memref<!tpu.dma_semaphore, #tpu.memory_space<semaphore_mem>>
        %dma_start3A_179 = arith.constant 0 : i32
        %dma_start3A_180 = tpu.memref_slice %arg7[%add3A_157, %dma_start3A_179] : memref<200x50xi32, #tpu.memory_space<vmem>> -> memref<1x50xi32, #tpu.memory_space<vmem>>
        %dma_start3A_181 = tpu.memref_squeeze %dma_start3A_180 : memref<1x50xi32, #tpu.memory_space<vmem>> -> memref<50xi32, #tpu.memory_space<vmem>>
        %dma_start3A_182 = arith.constant 0 : i32
        %dma_start3A_183 = arith.constant 0 : i32
        %dma_start3A_184 = tpu.memref_slice %arg12[%dma_start3A_182, %dma_start3A_183] : memref<10240x128xf32, #tpu.memory_space<vmem_shared>> -> memref<10240x128xf32, #tpu.memory_space<vmem_shared>>
        tpu.enqueue_indirect_dma source(%arg10 : memref<50x128xf32, #tpu.memory_space<vmem>>) target(%dma_start3A_184 : memref<10240x128xf32, #tpu.memory_space<vmem_shared>>) offsets(%dma_start3A_181 : memref<50xi32, #tpu.memory_space<vmem>>) semaphore(%run_scoped3A : memref<!tpu.dma_semaphore, #tpu.memory_space<semaphore_mem>>) {add = true}
        %dma_wait3A_185 = arith.constant 0 : i32
        %dma_wait3A_186 = tpu.memref_slice %arg7[%add3A_157, %dma_wait3A_185] : memref<200x50xi32, #tpu.memory_space<vmem>> -> memref<1x50xi32, #tpu.memory_space<vmem>>
        %dma_wait3A_187 = tpu.memref_squeeze %dma_wait3A_186 : memref<1x50xi32, #tpu.memory_space<vmem>> -> memref<50xi32, #tpu.memory_space<vmem>>
        %dma_wait3A_188 = arith.constant 0 : i32
        %dma_wait3A_189 = arith.constant 0 : i32
        %dma_wait3A_190 = tpu.memref_slice %arg12[%dma_wait3A_188, %dma_wait3A_189] : memref<10240x128xf32, #tpu.memory_space<vmem_shared>> -> memref<10240x128xf32, #tpu.memory_space<vmem_shared>>
        tpu.wait_indirect_dma semaphore(%run_scoped3A : memref<!tpu.dma_semaphore, #tpu.memory_space<semaphore_mem>>) src(%arg10 : memref<50x128xf32, #tpu.memory_space<vmem>>) dst(%dma_wait3A_190 : memref<10240x128xf32, #tpu.memory_space<vmem_shared>>)
        tpu.yield
      }) : () -> ()
      %add3A_158 = arith.constant 3 : i32
      %add3A_159 = arith.addi %mul3A_98, %add3A_158 : i32
      %dma_wait3A_160 = arith.constant 0 : i32
      %dma_wait3A_161 = tpu.memref_slice %arg6[%add3A_159, %dma_wait3A_160] : memref<200x50xi32, #tpu.memory_space<vmem>> -> memref<1x50xi32, #tpu.memory_space<vmem>>
      %dma_wait3A_162 = tpu.memref_squeeze %dma_wait3A_161 : memref<1x50xi32, #tpu.memory_space<vmem>> -> memref<50xi32, #tpu.memory_space<vmem>>
      %dma_wait3A_163 = arith.constant 0 : i32
      %dma_wait3A_164 = arith.constant 0 : i32
      %dma_wait3A_165 = tpu.memref_slice %arg2[%dma_wait3A_163, %dma_wait3A_164] : memref<10000x128xf32, #tpu.memory_space<hbm>> -> memref<10000x128xf32, #tpu.memory_space<hbm>>
      tpu.wait_indirect_dma semaphore(%arg16 : memref<!tpu.dma_semaphore, #tpu.memory_space<semaphore_mem>>) src(%dma_wait3A_165 : memref<10000x128xf32, #tpu.memory_space<hbm>>) dst(%arg11 : memref<50x128xf32, #tpu.memory_space<vmem>>)
      %add3A_166 = arith.constant 3 : i32
      %add3A_167 = arith.addi %mul3A_98, %add3A_166 : i32
      %add3A_168 = arith.constant 4 : i32
      %add3A_169 = arith.addi %add3A_167, %add3A_168 : i32
      %sub3A_170 = arith.constant 1 : i32
      %sub3A_171 = arith.subi %add3A_169, %sub3A_170 : i32
      %lt3A_172 = arith.constant 200 : i32
      %lt3A_173 = arith.cmpi slt, %sub3A_171, %lt3A_172 : i32
      %convert_element_type3A_174 = arith.extui %lt3A_173 : i1 to i32
      %cond3A_175 = arith.constant 0 : i32
      %cond3A_176 = arith.cmpi ne, %convert_element_type3A_174, %cond3A_175 : i32
      scf.if %cond3A_176 {
        %dma_start3A_179 = arith.constant 0 : i32
        %dma_start3A_180 = tpu.memref_slice %arg6[%sub3A_171, %dma_start3A_179] : memref<200x50xi32, #tpu.memory_space<vmem>> -> memref<1x50xi32, #tpu.memory_space<vmem>>
        %dma_start3A_181 = tpu.memref_squeeze %dma_start3A_180 : memref<1x50xi32, #tpu.memory_space<vmem>> -> memref<50xi32, #tpu.memory_space<vmem>>
        %dma_start3A_182 = arith.constant 0 : i32
        %dma_start3A_183 = arith.constant 0 : i32
        %dma_start3A_184 = tpu.memref_slice %arg2[%dma_start3A_182, %dma_start3A_183] : memref<10000x128xf32, #tpu.memory_space<hbm>> -> memref<10000x128xf32, #tpu.memory_space<hbm>>
        tpu.enqueue_indirect_dma source(%dma_start3A_184 : memref<10000x128xf32, #tpu.memory_space<hbm>>) target(%arg10 : memref<50x128xf32, #tpu.memory_space<vmem>>) offsets(%dma_start3A_181 : memref<50xi32, #tpu.memory_space<vmem>>) semaphore(%arg15 : memref<!tpu.dma_semaphore, #tpu.memory_space<semaphore_mem>>)
      } else {
      }
      %add3A_177 = arith.constant 3 : i32
      %add3A_178 = arith.addi %mul3A_98, %add3A_177 : i32
      "tpu.region"() ({
        %run_scoped3A = tpu.sem_alloc : memref<!tpu.dma_semaphore, #tpu.memory_space<semaphore_mem>>
        %dma_start3A_179 = arith.constant 0 : i32
        %dma_start3A_180 = tpu.memref_slice %arg7[%add3A_178, %dma_start3A_179] : memref<200x50xi32, #tpu.memory_space<vmem>> -> memref<1x50xi32, #tpu.memory_space<vmem>>
        %dma_start3A_181 = tpu.memref_squeeze %dma_start3A_180 : memref<1x50xi32, #tpu.memory_space<vmem>> -> memref<50xi32, #tpu.memory_space<vmem>>
        %dma_start3A_182 = arith.constant 0 : i32
        %dma_start3A_183 = arith.constant 0 : i32
        %dma_start3A_184 = tpu.memref_slice %arg12[%dma_start3A_182, %dma_start3A_183] : memref<10240x128xf32, #tpu.memory_space<vmem_shared>> -> memref<10240x128xf32, #tpu.memory_space<vmem_shared>>
        tpu.enqueue_indirect_dma source(%arg11 : memref<50x128xf32, #tpu.memory_space<vmem>>) target(%dma_start3A_184 : memref<10240x128xf32, #tpu.memory_space<vmem_shared>>) offsets(%dma_start3A_181 : memref<50xi32, #tpu.memory_space<vmem>>) semaphore(%run_scoped3A : memref<!tpu.dma_semaphore, #tpu.memory_space<semaphore_mem>>) {add = true}
        %dma_wait3A_185 = arith.constant 0 : i32
        %dma_wait3A_186 = tpu.memref_slice %arg7[%add3A_178, %dma_wait3A_185] : memref<200x50xi32, #tpu.memory_space<vmem>> -> memref<1x50xi32, #tpu.memory_space<vmem>>
        %dma_wait3A_187 = tpu.memref_squeeze %dma_wait3A_186 : memref<1x50xi32, #tpu.memory_space<vmem>> -> memref<50xi32, #tpu.memory_space<vmem>>
        %dma_wait3A_188 = arith.constant 0 : i32
        %dma_wait3A_189 = arith.constant 0 : i32
        %dma_wait3A_190 = tpu.memref_slice %arg12[%dma_wait3A_188, %dma_wait3A_189] : memref<10240x128xf32, #tpu.memory_space<vmem_shared>> -> memref<10240x128xf32, #tpu.memory_space<vmem_shared>>
        tpu.wait_indirect_dma semaphore(%run_scoped3A : memref<!tpu.dma_semaphore, #tpu.memory_space<semaphore_mem>>) src(%arg11 : memref<50x128xf32, #tpu.memory_space<vmem>>) dst(%dma_wait3A_190 : memref<10240x128xf32, #tpu.memory_space<vmem_shared>>)
        tpu.yield
      }) : () -> ()
    }
    %scan3A_83 = arith.constant 50 : i32
    %barrier3A_84 = arith.constant 0 : index
    tpu.barrier barrier_id(%barrier3A_84)
    %mul3A_85 = arith.constant 640 : i32
    %mul3A_86 = arith.muli %arg1, %mul3A_85 : i32
    %mul3A_87 = arith.constant 10240 : i32
    %mul3A_88 = arith.muli %arg0, %mul3A_87 : i32
    %mul3A_89 = arith.constant 640 : i32
    %mul3A_90 = arith.muli %arg1, %mul3A_89 : i32
    %add3A_91 = arith.addi %mul3A_88, %mul3A_90 : i32
    "tpu.region"() ({
      %run_scoped3A = tpu.sem_alloc : memref<!tpu.dma_semaphore, #tpu.memory_space<semaphore_mem>>
      %dma_start3A_92 = arith.constant 0 : i32
      %dma_start3A_93 = tpu.memref_slice %arg5[%add3A_91, %dma_start3A_92] : memref<20480x128xf32, #tpu.memory_space<hbm>> -> memref<640x128xf32, #tpu.memory_space<hbm>>
      %dma_start3A_94 = arith.constant 0 : i32
      %dma_start3A_95 = tpu.memref_slice %arg12[%mul3A_86, %dma_start3A_94] : memref<10240x128xf32, #tpu.memory_space<vmem_shared>> -> memref<640x128xf32, #tpu.memory_space<vmem_shared>>
      tpu.enqueue_dma source(%dma_start3A_95 : memref<640x128xf32, #tpu.memory_space<vmem_shared>>) target(%dma_start3A_93 : memref<640x128xf32, #tpu.memory_space<hbm>>) target_semaphore(%run_scoped3A : memref<!tpu.dma_semaphore, #tpu.memory_space<semaphore_mem>>)
      %dma_wait3A = arith.constant 0 : i32
      %dma_wait3A_96 = tpu.memref_slice %arg5[%add3A_91, %dma_wait3A] : memref<20480x128xf32, #tpu.memory_space<hbm>> -> memref<640x128xf32, #tpu.memory_space<hbm>>
      %dma_wait3A_97 = arith.constant 0 : i32
      %dma_wait3A_98 = tpu.memref_slice %arg12[%mul3A_86, %dma_wait3A_97] : memref<10240x128xf32, #tpu.memory_space<vmem_shared>> -> memref<640x128xf32, #tpu.memory_space<vmem_shared>>
      tpu.wait_dma2 semaphore(%run_scoped3A : memref<!tpu.dma_semaphore, #tpu.memory_space<semaphore_mem>>) src(%dma_wait3A_98 : memref<640x128xf32, #tpu.memory_space<vmem_shared>>) dst(%dma_wait3A_96 : memref<640x128xf32, #tpu.memory_space<hbm>>)
      tpu.yield
    }) : () -> ()
    return
  }
}

#map = affine_map<(d0, d1) -> (0, 0)>
#map1 = affine_map<(d0, d1) -> (0, 0, 0)>
module attributes {stable_mosaic.version = 14 : i64} {
  func.func @_edge_body_staged(%arg0: i32, %arg1: i32, %arg2: memref<10000x64xf32, #tpu.memory_space<hbm>>, %arg3: memref<32x100x100xi32, #tpu.memory_space<hbm>>, %arg4: memref<32x100x100xi32, #tpu.memory_space<hbm>>, %arg5: memref<20480x64xf32, #tpu.memory_space<hbm>>, %arg6: memref<100x100xi32, #tpu.memory_space<vmem>>, %arg7: memref<100x100xi32, #tpu.memory_space<vmem>>, %arg8: memref<100x64xf32, #tpu.memory_space<vmem>>, %arg9: memref<100x64xf32, #tpu.memory_space<vmem>>, %arg10: memref<100x64xf32, #tpu.memory_space<vmem>>, %arg11: memref<100x64xf32, #tpu.memory_space<vmem>>, %arg12: memref<10000x64xf32, #tpu.memory_space<vmem_shared>>, %arg13: memref<10240x64xf32, #tpu.memory_space<vmem_shared>>, %arg14: memref<!tpu.dma_semaphore, #tpu.memory_space<semaphore_mem>>, %arg15: memref<!tpu.dma_semaphore, #tpu.memory_space<semaphore_mem>>, %arg16: memref<!tpu.dma_semaphore, #tpu.memory_space<semaphore_mem>>, %arg17: memref<!tpu.dma_semaphore, #tpu.memory_space<semaphore_mem>>) attributes {dimension_semantics = [#tpu.dimension_semantics<core_parallel>, #tpu.dimension_semantics<subcore_parallel>], iteration_bounds = array<i64: 2, 16>, scalar_prefetch = 0 : i64, scratch_operands = 12 : i64, tpu.core_type = #tpu.core_type<sc_vector_subcore>, window_params = [{transform_indices = #map}, {transform_indices = #map1}, {transform_indices = #map1}, {transform_indices = #map}]} {
    %mul3A = arith.constant 16 : i32
    %mul3A_0 = arith.muli %arg0, %mul3A : i32
    %add3A = arith.addi %mul3A_0, %arg1 : i32
    %broadcast_in_dim3A = arith.constant 0.000000e+00 : f32
    %broadcast_in_dim3A_1 = vector.broadcast %broadcast_in_dim3A : f32 to vector<16xf32>
    %scan3A = arith.constant 0 : i32
    %scan3A_2 = arith.constant 100 : i32
    %scan3A_3 = arith.addi %scan3A, %scan3A_2 : i32
    %scan3A_4 = arith.constant 1 : i32
    scf.for %scan3A_72 = %scan3A to %scan3A_3 step %scan3A_4  : i32 {
      %mul3A_73 = arith.constant 1 : i32
      %mul3A_74 = arith.muli %scan3A_72, %mul3A_73 : i32
      %add3A_75 = arith.constant 0 : i32
      %add3A_76 = arith.addi %add3A_75, %mul3A_74 : i32
      %scan3A_77 = arith.constant 0 : i32
      %scan3A_78 = arith.constant 4 : i32
      %scan3A_79 = arith.addi %scan3A_77, %scan3A_78 : i32
      %scan3A_80 = arith.constant 1 : i32
      scf.for %scan3A_82 = %scan3A_77 to %scan3A_79 step %scan3A_80  : i32 {
        %mul3A_83 = arith.constant 1 : i32
        %mul3A_84 = arith.muli %scan3A_82, %mul3A_83 : i32
        %add3A_85 = arith.constant 0 : i32
        %add3A_86 = arith.addi %add3A_85, %mul3A_84 : i32
        %mul3A_87 = arith.constant 16 : i32
        %mul3A_88 = arith.muli %add3A_86, %mul3A_87 : i32
        %swap3A = arith.index_cast %add3A_76 : i32 to index
        %swap3A_89 = arith.index_cast %mul3A_88 : i32 to index
        %swap3A_90 = tpu.vector_load %arg8[%swap3A, %swap3A_89] {strides = array<i32>} : memref<100x64xf32, #tpu.memory_space<vmem>>, vector<16xf32>,
        tpu.vector_store %arg8[%swap3A, %swap3A_89], %broadcast_in_dim3A_1 {strides = array<i32>} : memref<100x64xf32, #tpu.memory_space<vmem>>, vector<16xf32>,
      }
      %scan3A_81 = arith.constant 4 : i32
    }
    %scan3A_5 = arith.constant 100 : i32
    %mul3A_6 = arith.constant 640 : i32
    %mul3A_7 = arith.muli %arg1, %mul3A_6 : i32
    %add3A_8 = arith.constant 0 : i32
    %add3A_9 = arith.addi %mul3A_7, %add3A_8 : i32
    "tpu.region"() ({
      %run_scoped3A = tpu.sem_alloc : memref<!tpu.dma_semaphore, #tpu.memory_space<semaphore_mem>>
      %dma_start3A_72 = arith.constant 0 : i32
      %dma_start3A_73 = tpu.memref_slice %arg13[%add3A_9, %dma_start3A_72] : memref<10240x64xf32, #tpu.memory_space<vmem_shared>> -> memref<100x64xf32, #tpu.memory_space<vmem_shared>>
      %dma_start3A_74 = arith.constant 0 : i32
      %dma_start3A_75 = tpu.memref_slice %arg13[%add3A_9, %dma_start3A_74] : memref<10240x64xf32, #tpu.memory_space<vmem_shared>> -> memref<100x64xf32, #tpu.memory_space<vmem_shared>>
      tpu.enqueue_dma source(%arg8 : memref<100x64xf32, #tpu.memory_space<vmem>>) target(%dma_start3A_75 : memref<100x64xf32, #tpu.memory_space<vmem_shared>>) target_semaphore(%run_scoped3A : memref<!tpu.dma_semaphore, #tpu.memory_space<semaphore_mem>>)
      %dma_wait3A = arith.constant 0 : i32
      %dma_wait3A_76 = tpu.memref_slice %arg13[%add3A_9, %dma_wait3A] : memref<10240x64xf32, #tpu.memory_space<vmem_shared>> -> memref<100x64xf32, #tpu.memory_space<vmem_shared>>
      %dma_wait3A_77 = arith.constant 0 : i32
      %dma_wait3A_78 = tpu.memref_slice %arg13[%add3A_9, %dma_wait3A_77] : memref<10240x64xf32, #tpu.memory_space<vmem_shared>> -> memref<100x64xf32, #tpu.memory_space<vmem_shared>>
      tpu.wait_dma2 semaphore(%run_scoped3A : memref<!tpu.dma_semaphore, #tpu.memory_space<semaphore_mem>>) src(%arg8 : memref<100x64xf32, #tpu.memory_space<vmem>>) dst(%dma_wait3A_78 : memref<100x64xf32, #tpu.memory_space<vmem_shared>>)
      tpu.yield
    }) : () -> ()
    %mul3A_10 = arith.constant 640 : i32
    %mul3A_11 = arith.muli %arg1, %mul3A_10 : i32
    %add3A_12 = arith.constant 100 : i32
    %add3A_13 = arith.addi %mul3A_11, %add3A_12 : i32
    "tpu.region"() ({
      %run_scoped3A = tpu.sem_alloc : memref<!tpu.dma_semaphore, #tpu.memory_space<semaphore_mem>>
      %dma_start3A_72 = arith.constant 0 : i32
      %dma_start3A_73 = tpu.memref_slice %arg13[%add3A_13, %dma_start3A_72] : memref<10240x64xf32, #tpu.memory_space<vmem_shared>> -> memref<100x64xf32, #tpu.memory_space<vmem_shared>>
      %dma_start3A_74 = arith.constant 0 : i32
      %dma_start3A_75 = tpu.memref_slice %arg13[%add3A_13, %dma_start3A_74] : memref<10240x64xf32, #tpu.memory_space<vmem_shared>> -> memref<100x64xf32, #tpu.memory_space<vmem_shared>>
      tpu.enqueue_dma source(%arg8 : memref<100x64xf32, #tpu.memory_space<vmem>>) target(%dma_start3A_75 : memref<100x64xf32, #tpu.memory_space<vmem_shared>>) target_semaphore(%run_scoped3A : memref<!tpu.dma_semaphore, #tpu.memory_space<semaphore_mem>>)
      %dma_wait3A = arith.constant 0 : i32
      %dma_wait3A_76 = tpu.memref_slice %arg13[%add3A_13, %dma_wait3A] : memref<10240x64xf32, #tpu.memory_space<vmem_shared>> -> memref<100x64xf32, #tpu.memory_space<vmem_shared>>
      %dma_wait3A_77 = arith.constant 0 : i32
      %dma_wait3A_78 = tpu.memref_slice %arg13[%add3A_13, %dma_wait3A_77] : memref<10240x64xf32, #tpu.memory_space<vmem_shared>> -> memref<100x64xf32, #tpu.memory_space<vmem_shared>>
      tpu.wait_dma2 semaphore(%run_scoped3A : memref<!tpu.dma_semaphore, #tpu.memory_space<semaphore_mem>>) src(%arg8 : memref<100x64xf32, #tpu.memory_space<vmem>>) dst(%dma_wait3A_78 : memref<100x64xf32, #tpu.memory_space<vmem_shared>>)
      tpu.yield
    }) : () -> ()
    %mul3A_14 = arith.constant 640 : i32
    %mul3A_15 = arith.muli %arg1, %mul3A_14 : i32
    %add3A_16 = arith.constant 200 : i32
    %add3A_17 = arith.addi %mul3A_15, %add3A_16 : i32
    "tpu.region"() ({
      %run_scoped3A = tpu.sem_alloc : memref<!tpu.dma_semaphore, #tpu.memory_space<semaphore_mem>>
      %dma_start3A_72 = arith.constant 0 : i32
      %dma_start3A_73 = tpu.memref_slice %arg13[%add3A_17, %dma_start3A_72] : memref<10240x64xf32, #tpu.memory_space<vmem_shared>> -> memref<100x64xf32, #tpu.memory_space<vmem_shared>>
      %dma_start3A_74 = arith.constant 0 : i32
      %dma_start3A_75 = tpu.memref_slice %arg13[%add3A_17, %dma_start3A_74] : memref<10240x64xf32, #tpu.memory_space<vmem_shared>> -> memref<100x64xf32, #tpu.memory_space<vmem_shared>>
      tpu.enqueue_dma source(%arg8 : memref<100x64xf32, #tpu.memory_space<vmem>>) target(%dma_start3A_75 : memref<100x64xf32, #tpu.memory_space<vmem_shared>>) target_semaphore(%run_scoped3A : memref<!tpu.dma_semaphore, #tpu.memory_space<semaphore_mem>>)
      %dma_wait3A = arith.constant 0 : i32
      %dma_wait3A_76 = tpu.memref_slice %arg13[%add3A_17, %dma_wait3A] : memref<10240x64xf32, #tpu.memory_space<vmem_shared>> -> memref<100x64xf32, #tpu.memory_space<vmem_shared>>
      %dma_wait3A_77 = arith.constant 0 : i32
      %dma_wait3A_78 = tpu.memref_slice %arg13[%add3A_17, %dma_wait3A_77] : memref<10240x64xf32, #tpu.memory_space<vmem_shared>> -> memref<100x64xf32, #tpu.memory_space<vmem_shared>>
      tpu.wait_dma2 semaphore(%run_scoped3A : memref<!tpu.dma_semaphore, #tpu.memory_space<semaphore_mem>>) src(%arg8 : memref<100x64xf32, #tpu.memory_space<vmem>>) dst(%dma_wait3A_78 : memref<100x64xf32, #tpu.memory_space<vmem_shared>>)
      tpu.yield
    }) : () -> ()
    %mul3A_18 = arith.constant 640 : i32
    %mul3A_19 = arith.muli %arg1, %mul3A_18 : i32
    %add3A_20 = arith.constant 300 : i32
    %add3A_21 = arith.addi %mul3A_19, %add3A_20 : i32
    "tpu.region"() ({
      %run_scoped3A = tpu.sem_alloc : memref<!tpu.dma_semaphore, #tpu.memory_space<semaphore_mem>>
      %dma_start3A_72 = arith.constant 0 : i32
      %dma_start3A_73 = tpu.memref_slice %arg13[%add3A_21, %dma_start3A_72] : memref<10240x64xf32, #tpu.memory_space<vmem_shared>> -> memref<100x64xf32, #tpu.memory_space<vmem_shared>>
      %dma_start3A_74 = arith.constant 0 : i32
      %dma_start3A_75 = tpu.memref_slice %arg13[%add3A_21, %dma_start3A_74] : memref<10240x64xf32, #tpu.memory_space<vmem_shared>> -> memref<100x64xf32, #tpu.memory_space<vmem_shared>>
      tpu.enqueue_dma source(%arg8 : memref<100x64xf32, #tpu.memory_space<vmem>>) target(%dma_start3A_75 : memref<100x64xf32, #tpu.memory_space<vmem_shared>>) target_semaphore(%run_scoped3A : memref<!tpu.dma_semaphore, #tpu.memory_space<semaphore_mem>>)
      %dma_wait3A = arith.constant 0 : i32
      %dma_wait3A_76 = tpu.memref_slice %arg13[%add3A_21, %dma_wait3A] : memref<10240x64xf32, #tpu.memory_space<vmem_shared>> -> memref<100x64xf32, #tpu.memory_space<vmem_shared>>
      %dma_wait3A_77 = arith.constant 0 : i32
      %dma_wait3A_78 = tpu.memref_slice %arg13[%add3A_21, %dma_wait3A_77] : memref<10240x64xf32, #tpu.memory_space<vmem_shared>> -> memref<100x64xf32, #tpu.memory_space<vmem_shared>>
      tpu.wait_dma2 semaphore(%run_scoped3A : memref<!tpu.dma_semaphore, #tpu.memory_space<semaphore_mem>>) src(%arg8 : memref<100x64xf32, #tpu.memory_space<vmem>>) dst(%dma_wait3A_78 : memref<100x64xf32, #tpu.memory_space<vmem_shared>>)
      tpu.yield
    }) : () -> ()
    %mul3A_22 = arith.constant 640 : i32
    %mul3A_23 = arith.muli %arg1, %mul3A_22 : i32
    %add3A_24 = arith.constant 400 : i32
    %add3A_25 = arith.addi %mul3A_23, %add3A_24 : i32
    "tpu.region"() ({
      %run_scoped3A = tpu.sem_alloc : memref<!tpu.dma_semaphore, #tpu.memory_space<semaphore_mem>>
      %dma_start3A_72 = arith.constant 0 : i32
      %dma_start3A_73 = tpu.memref_slice %arg13[%add3A_25, %dma_start3A_72] : memref<10240x64xf32, #tpu.memory_space<vmem_shared>> -> memref<100x64xf32, #tpu.memory_space<vmem_shared>>
      %dma_start3A_74 = arith.constant 0 : i32
      %dma_start3A_75 = tpu.memref_slice %arg13[%add3A_25, %dma_start3A_74] : memref<10240x64xf32, #tpu.memory_space<vmem_shared>> -> memref<100x64xf32, #tpu.memory_space<vmem_shared>>
      tpu.enqueue_dma source(%arg8 : memref<100x64xf32, #tpu.memory_space<vmem>>) target(%dma_start3A_75 : memref<100x64xf32, #tpu.memory_space<vmem_shared>>) target_semaphore(%run_scoped3A : memref<!tpu.dma_semaphore, #tpu.memory_space<semaphore_mem>>)
      %dma_wait3A = arith.constant 0 : i32
      %dma_wait3A_76 = tpu.memref_slice %arg13[%add3A_25, %dma_wait3A] : memref<10240x64xf32, #tpu.memory_space<vmem_shared>> -> memref<100x64xf32, #tpu.memory_space<vmem_shared>>
      %dma_wait3A_77 = arith.constant 0 : i32
      %dma_wait3A_78 = tpu.memref_slice %arg13[%add3A_25, %dma_wait3A_77] : memref<10240x64xf32, #tpu.memory_space<vmem_shared>> -> memref<100x64xf32, #tpu.memory_space<vmem_shared>>
      tpu.wait_dma2 semaphore(%run_scoped3A : memref<!tpu.dma_semaphore, #tpu.memory_space<semaphore_mem>>) src(%arg8 : memref<100x64xf32, #tpu.memory_space<vmem>>) dst(%dma_wait3A_78 : memref<100x64xf32, #tpu.memory_space<vmem_shared>>)
      tpu.yield
    }) : () -> ()
    %mul3A_26 = arith.constant 640 : i32
    %mul3A_27 = arith.muli %arg1, %mul3A_26 : i32
    %add3A_28 = arith.constant 500 : i32
    %add3A_29 = arith.addi %mul3A_27, %add3A_28 : i32
    "tpu.region"() ({
      %run_scoped3A = tpu.sem_alloc : memref<!tpu.dma_semaphore, #tpu.memory_space<semaphore_mem>>
      %dma_start3A_72 = arith.constant 0 : i32
      %dma_start3A_73 = tpu.memref_slice %arg13[%add3A_29, %dma_start3A_72] : memref<10240x64xf32, #tpu.memory_space<vmem_shared>> -> memref<100x64xf32, #tpu.memory_space<vmem_shared>>
      %dma_start3A_74 = arith.constant 0 : i32
      %dma_start3A_75 = tpu.memref_slice %arg13[%add3A_29, %dma_start3A_74] : memref<10240x64xf32, #tpu.memory_space<vmem_shared>> -> memref<100x64xf32, #tpu.memory_space<vmem_shared>>
      tpu.enqueue_dma source(%arg8 : memref<100x64xf32, #tpu.memory_space<vmem>>) target(%dma_start3A_75 : memref<100x64xf32, #tpu.memory_space<vmem_shared>>) target_semaphore(%run_scoped3A : memref<!tpu.dma_semaphore, #tpu.memory_space<semaphore_mem>>)
      %dma_wait3A = arith.constant 0 : i32
      %dma_wait3A_76 = tpu.memref_slice %arg13[%add3A_29, %dma_wait3A] : memref<10240x64xf32, #tpu.memory_space<vmem_shared>> -> memref<100x64xf32, #tpu.memory_space<vmem_shared>>
      %dma_wait3A_77 = arith.constant 0 : i32
      %dma_wait3A_78 = tpu.memref_slice %arg13[%add3A_29, %dma_wait3A_77] : memref<10240x64xf32, #tpu.memory_space<vmem_shared>> -> memref<100x64xf32, #tpu.memory_space<vmem_shared>>
      tpu.wait_dma2 semaphore(%run_scoped3A : memref<!tpu.dma_semaphore, #tpu.memory_space<semaphore_mem>>) src(%arg8 : memref<100x64xf32, #tpu.memory_space<vmem>>) dst(%dma_wait3A_78 : memref<100x64xf32, #tpu.memory_space<vmem_shared>>)
      tpu.yield
    }) : () -> ()
    %mul3A_30 = arith.constant 640 : i32
    %mul3A_31 = arith.muli %arg1, %mul3A_30 : i32
    %add3A_32 = arith.constant 640 : i32
    %add3A_33 = arith.addi %mul3A_31, %add3A_32 : i32
    %sub3A = arith.constant 40 : i32
    %sub3A_34 = arith.subi %add3A_33, %sub3A : i32
    "tpu.region"() ({
      %run_scoped3A = tpu.sem_alloc : memref<!tpu.dma_semaphore, #tpu.memory_space<semaphore_mem>>
      %dma_start3A_72 = arith.constant 0 : i32
      %dma_start3A_73 = arith.constant 0 : i32
      %dma_start3A_74 = tpu.memref_slice %arg8[%dma_start3A_72, %dma_start3A_73] : memref<100x64xf32, #tpu.memory_space<vmem>> -> memref<40x64xf32, #tpu.memory_space<vmem>>
      %dma_start3A_75 = arith.constant 0 : i32
      %dma_start3A_76 = tpu.memref_slice %arg13[%sub3A_34, %dma_start3A_75] : memref<10240x64xf32, #tpu.memory_space<vmem_shared>> -> memref<40x64xf32, #tpu.memory_space<vmem_shared>>
      %dma_start3A_77 = arith.constant 0 : i32
      %dma_start3A_78 = tpu.memref_slice %arg13[%sub3A_34, %dma_start3A_77] : memref<10240x64xf32, #tpu.memory_space<vmem_shared>> -> memref<40x64xf32, #tpu.memory_space<vmem_shared>>
      %dma_start3A_79 = arith.constant 0 : i32
      %dma_start3A_80 = arith.constant 0 : i32
      %dma_start3A_81 = tpu.memref_slice %arg8[%dma_start3A_79, %dma_start3A_80] : memref<100x64xf32, #tpu.memory_space<vmem>> -> memref<40x64xf32, #tpu.memory_space<vmem>>
      tpu.enqueue_dma source(%dma_start3A_81 : memref<40x64xf32, #tpu.memory_space<vmem>>) target(%dma_start3A_78 : memref<40x64xf32, #tpu.memory_space<vmem_shared>>) target_semaphore(%run_scoped3A : memref<!tpu.dma_semaphore, #tpu.memory_space<semaphore_mem>>)
      %dma_wait3A = arith.constant 0 : i32
      %dma_wait3A_82 = arith.constant 0 : i32
      %dma_wait3A_83 = tpu.memref_slice %arg8[%dma_wait3A, %dma_wait3A_82] : memref<100x64xf32, #tpu.memory_space<vmem>> -> memref<40x64xf32, #tpu.memory_space<vmem>>
      %dma_wait3A_84 = arith.constant 0 : i32
      %dma_wait3A_85 = tpu.memref_slice %arg13[%sub3A_34, %dma_wait3A_84] : memref<10240x64xf32, #tpu.memory_space<vmem_shared>> -> memref<40x64xf32, #tpu.memory_space<vmem_shared>>
      %dma_wait3A_86 = arith.constant 0 : i32
      %dma_wait3A_87 = tpu.memref_slice %arg13[%sub3A_34, %dma_wait3A_86] : memref<10240x64xf32, #tpu.memory_space<vmem_shared>> -> memref<40x64xf32, #tpu.memory_space<vmem_shared>>
      %dma_wait3A_88 = arith.constant 0 : i32
      %dma_wait3A_89 = arith.constant 0 : i32
      %dma_wait3A_90 = tpu.memref_slice %arg8[%dma_wait3A_88, %dma_wait3A_89] : memref<100x64xf32, #tpu.memory_space<vmem>> -> memref<40x64xf32, #tpu.memory_space<vmem>>
      tpu.wait_dma2 semaphore(%run_scoped3A : memref<!tpu.dma_semaphore, #tpu.memory_space<semaphore_mem>>) src(%dma_wait3A_90 : memref<40x64xf32, #tpu.memory_space<vmem>>) dst(%dma_wait3A_87 : memref<40x64xf32, #tpu.memory_space<vmem_shared>>)
      tpu.yield
    }) : () -> ()
    %mul3A_35 = arith.constant 625 : i32
    %mul3A_36 = arith.muli %arg1, %mul3A_35 : i32
    %mul3A_37 = arith.constant 625 : i32
    %mul3A_38 = arith.muli %arg1, %mul3A_37 : i32
    "tpu.region"() ({
      %run_scoped3A = tpu.sem_alloc : memref<!tpu.dma_semaphore, #tpu.memory_space<semaphore_mem>>
      %dma_start3A_72 = arith.constant 0 : i32
      %dma_start3A_73 = tpu.memref_slice %arg12[%mul3A_38, %dma_start3A_72] : memref<10000x64xf32, #tpu.memory_space<vmem_shared>> -> memref<625x64xf32, #tpu.memory_space<vmem_shared>>
      %dma_start3A_74 = arith.constant 0 : i32
      %dma_start3A_75 = tpu.memref_slice %arg2[%mul3A_36, %dma_start3A_74] : memref<10000x64xf32, #tpu.memory_space<hbm>> -> memref<625x64xf32, #tpu.memory_space<hbm>>
      tpu.enqueue_dma source(%dma_start3A_75 : memref<625x64xf32, #tpu.memory_space<hbm>>) target(%dma_start3A_73 : memref<625x64xf32, #tpu.memory_space<vmem_shared>>) target_semaphore(%run_scoped3A : memref<!tpu.dma_semaphore, #tpu.memory_space<semaphore_mem>>)
      %dma_wait3A = arith.constant 0 : i32
      %dma_wait3A_76 = tpu.memref_slice %arg12[%mul3A_38, %dma_wait3A] : memref<10000x64xf32, #tpu.memory_space<vmem_shared>> -> memref<625x64xf32, #tpu.memory_space<vmem_shared>>
      %dma_wait3A_77 = arith.constant 0 : i32
      %dma_wait3A_78 = tpu.memref_slice %arg2[%mul3A_36, %dma_wait3A_77] : memref<10000x64xf32, #tpu.memory_space<hbm>> -> memref<625x64xf32, #tpu.memory_space<hbm>>
      tpu.wait_dma2 semaphore(%run_scoped3A : memref<!tpu.dma_semaphore, #tpu.memory_space<semaphore_mem>>) src(%dma_wait3A_78 : memref<625x64xf32, #tpu.memory_space<hbm>>) dst(%dma_wait3A_76 : memref<625x64xf32, #tpu.memory_space<vmem_shared>>)
      tpu.yield
    }) : () -> ()
    "tpu.region"() ({
      %run_scoped3A = tpu.sem_alloc : memref<!tpu.dma_semaphore, #tpu.memory_space<semaphore_mem>>
      %dma_start3A_72 = arith.constant 0 : i32
      %dma_start3A_73 = arith.constant 0 : i32
      %dma_start3A_74 = tpu.memref_slice %arg3[%add3A, %dma_start3A_72, %dma_start3A_73] : memref<32x100x100xi32, #tpu.memory_space<hbm>> -> memref<1x100x100xi32, #tpu.memory_space<hbm>>
      %dma_start3A_75 = tpu.memref_squeeze %dma_start3A_74 : memref<1x100x100xi32, #tpu.memory_space<hbm>> -> memref<100x100xi32, #tpu.memory_space<hbm>>
      %dma_start3A_76 = arith.constant 0 : i32
      %dma_start3A_77 = arith.constant 0 : i32
      %dma_start3A_78 = tpu.memref_slice %arg3[%add3A, %dma_start3A_76, %dma_start3A_77] : memref<32x100x100xi32, #tpu.memory_space<hbm>> -> memref<1x100x100xi32, #tpu.memory_space<hbm>>
      %dma_start3A_79 = tpu.memref_squeeze %dma_start3A_78 : memref<1x100x100xi32, #tpu.memory_space<hbm>> -> memref<100x100xi32, #tpu.memory_space<hbm>>
      tpu.enqueue_dma source(%dma_start3A_79 : memref<100x100xi32, #tpu.memory_space<hbm>>) target(%arg6 : memref<100x100xi32, #tpu.memory_space<vmem>>) target_semaphore(%run_scoped3A : memref<!tpu.dma_semaphore, #tpu.memory_space<semaphore_mem>>)
      %dma_wait3A = arith.constant 0 : i32
      %dma_wait3A_80 = arith.constant 0 : i32
      %dma_wait3A_81 = tpu.memref_slice %arg3[%add3A, %dma_wait3A, %dma_wait3A_80] : memref<32x100x100xi32, #tpu.memory_space<hbm>> -> memref<1x100x100xi32, #tpu.memory_space<hbm>>
      %dma_wait3A_82 = tpu.memref_squeeze %dma_wait3A_81 : memref<1x100x100xi32, #tpu.memory_space<hbm>> -> memref<100x100xi32, #tpu.memory_space<hbm>>
      %dma_wait3A_83 = arith.constant 0 : i32
      %dma_wait3A_84 = arith.constant 0 : i32
      %dma_wait3A_85 = tpu.memref_slice %arg3[%add3A, %dma_wait3A_83, %dma_wait3A_84] : memref<32x100x100xi32, #tpu.memory_space<hbm>> -> memref<1x100x100xi32, #tpu.memory_space<hbm>>
      %dma_wait3A_86 = tpu.memref_squeeze %dma_wait3A_85 : memref<1x100x100xi32, #tpu.memory_space<hbm>> -> memref<100x100xi32, #tpu.memory_space<hbm>>
      tpu.wait_dma2 semaphore(%run_scoped3A : memref<!tpu.dma_semaphore, #tpu.memory_space<semaphore_mem>>) src(%dma_wait3A_86 : memref<100x100xi32, #tpu.memory_space<hbm>>) dst(%arg6 : memref<100x100xi32, #tpu.memory_space<vmem>>)
      tpu.yield
    }) : () -> ()
    "tpu.region"() ({
      %run_scoped3A = tpu.sem_alloc : memref<!tpu.dma_semaphore, #tpu.memory_space<semaphore_mem>>
      %dma_start3A_72 = arith.constant 0 : i32
      %dma_start3A_73 = arith.constant 0 : i32
      %dma_start3A_74 = tpu.memref_slice %arg4[%add3A, %dma_start3A_72, %dma_start3A_73] : memref<32x100x100xi32, #tpu.memory_space<hbm>> -> memref<1x100x100xi32, #tpu.memory_space<hbm>>
      %dma_start3A_75 = tpu.memref_squeeze %dma_start3A_74 : memref<1x100x100xi32, #tpu.memory_space<hbm>> -> memref<100x100xi32, #tpu.memory_space<hbm>>
      %dma_start3A_76 = arith.constant 0 : i32
      %dma_start3A_77 = arith.constant 0 : i32
      %dma_start3A_78 = tpu.memref_slice %arg4[%add3A, %dma_start3A_76, %dma_start3A_77] : memref<32x100x100xi32, #tpu.memory_space<hbm>> -> memref<1x100x100xi32, #tpu.memory_space<hbm>>
      %dma_start3A_79 = tpu.memref_squeeze %dma_start3A_78 : memref<1x100x100xi32, #tpu.memory_space<hbm>> -> memref<100x100xi32, #tpu.memory_space<hbm>>
      tpu.enqueue_dma source(%dma_start3A_79 : memref<100x100xi32, #tpu.memory_space<hbm>>) target(%arg7 : memref<100x100xi32, #tpu.memory_space<vmem>>) target_semaphore(%run_scoped3A : memref<!tpu.dma_semaphore, #tpu.memory_space<semaphore_mem>>)
      %dma_wait3A = arith.constant 0 : i32
      %dma_wait3A_80 = arith.constant 0 : i32
      %dma_wait3A_81 = tpu.memref_slice %arg4[%add3A, %dma_wait3A, %dma_wait3A_80] : memref<32x100x100xi32, #tpu.memory_space<hbm>> -> memref<1x100x100xi32, #tpu.memory_space<hbm>>
      %dma_wait3A_82 = tpu.memref_squeeze %dma_wait3A_81 : memref<1x100x100xi32, #tpu.memory_space<hbm>> -> memref<100x100xi32, #tpu.memory_space<hbm>>
      %dma_wait3A_83 = arith.constant 0 : i32
      %dma_wait3A_84 = arith.constant 0 : i32
      %dma_wait3A_85 = tpu.memref_slice %arg4[%add3A, %dma_wait3A_83, %dma_wait3A_84] : memref<32x100x100xi32, #tpu.memory_space<hbm>> -> memref<1x100x100xi32, #tpu.memory_space<hbm>>
      %dma_wait3A_86 = tpu.memref_squeeze %dma_wait3A_85 : memref<1x100x100xi32, #tpu.memory_space<hbm>> -> memref<100x100xi32, #tpu.memory_space<hbm>>
      tpu.wait_dma2 semaphore(%run_scoped3A : memref<!tpu.dma_semaphore, #tpu.memory_space<semaphore_mem>>) src(%dma_wait3A_86 : memref<100x100xi32, #tpu.memory_space<hbm>>) dst(%arg7 : memref<100x100xi32, #tpu.memory_space<vmem>>)
      tpu.yield
    }) : () -> ()
    %barrier3A = arith.constant 0 : index
    tpu.barrier barrier_id(%barrier3A)
    %dma_start3A = arith.constant 0 : i32
    %dma_start3A_39 = arith.constant 0 : i32
    %dma_start3A_40 = tpu.memref_slice %arg6[%dma_start3A, %dma_start3A_39] : memref<100x100xi32, #tpu.memory_space<vmem>> -> memref<1x100xi32, #tpu.memory_space<vmem>>
    %dma_start3A_41 = tpu.memref_squeeze %dma_start3A_40 : memref<1x100xi32, #tpu.memory_space<vmem>> -> memref<100xi32, #tpu.memory_space<vmem>>
    %dma_start3A_42 = arith.constant 0 : i32
    %dma_start3A_43 = arith.constant 0 : i32
    %dma_start3A_44 = tpu.memref_slice %arg12[%dma_start3A_42, %dma_start3A_43] : memref<10000x64xf32, #tpu.memory_space<vmem_shared>> -> memref<10000x64xf32, #tpu.memory_space<vmem_shared>>
    tpu.enqueue_indirect_dma source(%dma_start3A_44 : memref<10000x64xf32, #tpu.memory_space<vmem_shared>>) target(%arg8 : memref<100x64xf32, #tpu.memory_space<vmem>>) offsets(%dma_start3A_41 : memref<100xi32, #tpu.memory_space<vmem>>) semaphore(%arg14 : memref<!tpu.dma_semaphore, #tpu.memory_space<semaphore_mem>>)
    %dma_start3A_45 = arith.constant 1 : i32
    %dma_start3A_46 = arith.constant 0 : i32
    %dma_start3A_47 = tpu.memref_slice %arg6[%dma_start3A_45, %dma_start3A_46] : memref<100x100xi32, #tpu.memory_space<vmem>> -> memref<1x100xi32, #tpu.memory_space<vmem>>
    %dma_start3A_48 = tpu.memref_squeeze %dma_start3A_47 : memref<1x100xi32, #tpu.memory_space<vmem>> -> memref<100xi32, #tpu.memory_space<vmem>>
    %dma_start3A_49 = arith.constant 0 : i32
    %dma_start3A_50 = arith.constant 0 : i32
    %dma_start3A_51 = tpu.memref_slice %arg12[%dma_start3A_49, %dma_start3A_50] : memref<10000x64xf32, #tpu.memory_space<vmem_shared>> -> memref<10000x64xf32, #tpu.memory_space<vmem_shared>>
    tpu.enqueue_indirect_dma source(%dma_start3A_51 : memref<10000x64xf32, #tpu.memory_space<vmem_shared>>) target(%arg9 : memref<100x64xf32, #tpu.memory_space<vmem>>) offsets(%dma_start3A_48 : memref<100xi32, #tpu.memory_space<vmem>>) semaphore(%arg15 : memref<!tpu.dma_semaphore, #tpu.memory_space<semaphore_mem>>)
    %dma_start3A_52 = arith.constant 2 : i32
    %dma_start3A_53 = arith.constant 0 : i32
    %dma_start3A_54 = tpu.memref_slice %arg6[%dma_start3A_52, %dma_start3A_53] : memref<100x100xi32, #tpu.memory_space<vmem>> -> memref<1x100xi32, #tpu.memory_space<vmem>>
    %dma_start3A_55 = tpu.memref_squeeze %dma_start3A_54 : memref<1x100xi32, #tpu.memory_space<vmem>> -> memref<100xi32, #tpu.memory_space<vmem>>
    %dma_start3A_56 = arith.constant 0 : i32
    %dma_start3A_57 = arith.constant 0 : i32
    %dma_start3A_58 = tpu.memref_slice %arg12[%dma_start3A_56, %dma_start3A_57] : memref<10000x64xf32, #tpu.memory_space<vmem_shared>> -> memref<10000x64xf32, #tpu.memory_space<vmem_shared>>
    tpu.enqueue_indirect_dma source(%dma_start3A_58 : memref<10000x64xf32, #tpu.memory_space<vmem_shared>>) target(%arg10 : memref<100x64xf32, #tpu.memory_space<vmem>>) offsets(%dma_start3A_55 : memref<100xi32, #tpu.memory_space<vmem>>) semaphore(%arg16 : memref<!tpu.dma_semaphore, #tpu.memory_space<semaphore_mem>>)
    %scan3A_59 = arith.constant 0 : i32
    %scan3A_60 = arith.constant 25 : i32
    %scan3A_61 = arith.addi %scan3A_59, %scan3A_60 : i32
    %scan3A_62 = arith.constant 1 : i32
    scf.for %scan3A_72 = %scan3A_59 to %scan3A_61 step %scan3A_62  : i32 {
      %mul3A_73 = arith.constant 1 : i32
      %mul3A_74 = arith.muli %scan3A_72, %mul3A_73 : i32
      %add3A_75 = arith.constant 0 : i32
      %add3A_76 = arith.addi %add3A_75, %mul3A_74 : i32
      %mul3A_77 = arith.constant 4 : i32
      %mul3A_78 = arith.muli %add3A_76, %mul3A_77 : i32
      %add3A_79 = arith.constant 0 : i32
      %add3A_80 = arith.addi %mul3A_78, %add3A_79 : i32
      %dma_wait3A = arith.constant 0 : i32
      %dma_wait3A_81 = tpu.memref_slice %arg6[%add3A_80, %dma_wait3A] : memref<100x100xi32, #tpu.memory_space<vmem>> -> memref<1x100xi32, #tpu.memory_space<vmem>>
      %dma_wait3A_82 = tpu.memref_squeeze %dma_wait3A_81 : memref<1x100xi32, #tpu.memory_space<vmem>> -> memref<100xi32, #tpu.memory_space<vmem>>
      %dma_wait3A_83 = arith.constant 0 : i32
      %dma_wait3A_84 = arith.constant 0 : i32
      %dma_wait3A_85 = tpu.memref_slice %arg12[%dma_wait3A_83, %dma_wait3A_84] : memref<10000x64xf32, #tpu.memory_space<vmem_shared>> -> memref<10000x64xf32, #tpu.memory_space<vmem_shared>>
      tpu.wait_indirect_dma semaphore(%arg14 : memref<!tpu.dma_semaphore, #tpu.memory_space<semaphore_mem>>) src(%dma_wait3A_85 : memref<10000x64xf32, #tpu.memory_space<vmem_shared>>) dst(%arg8 : memref<100x64xf32, #tpu.memory_space<vmem>>)
      %add3A_86 = arith.constant 0 : i32
      %add3A_87 = arith.addi %mul3A_78, %add3A_86 : i32
      %add3A_88 = arith.constant 4 : i32
      %add3A_89 = arith.addi %add3A_87, %add3A_88 : i32
      %sub3A_90 = arith.constant 1 : i32
      %sub3A_91 = arith.subi %add3A_89, %sub3A_90 : i32
      %lt3A = arith.constant 100 : i32
      %lt3A_92 = arith.cmpi slt, %sub3A_91, %lt3A : i32
      %convert_element_type3A = arith.extui %lt3A_92 : i1 to i32
      %cond3A = arith.constant 0 : i32
      %cond3A_93 = arith.cmpi ne, %convert_element_type3A, %cond3A : i32
      scf.if %cond3A_93 {
        %dma_start3A_159 = arith.constant 0 : i32
        %dma_start3A_160 = tpu.memref_slice %arg6[%sub3A_91, %dma_start3A_159] : memref<100x100xi32, #tpu.memory_space<vmem>> -> memref<1x100xi32, #tpu.memory_space<vmem>>
        %dma_start3A_161 = tpu.memref_squeeze %dma_start3A_160 : memref<1x100xi32, #tpu.memory_space<vmem>> -> memref<100xi32, #tpu.memory_space<vmem>>
        %dma_start3A_162 = arith.constant 0 : i32
        %dma_start3A_163 = arith.constant 0 : i32
        %dma_start3A_164 = tpu.memref_slice %arg12[%dma_start3A_162, %dma_start3A_163] : memref<10000x64xf32, #tpu.memory_space<vmem_shared>> -> memref<10000x64xf32, #tpu.memory_space<vmem_shared>>
        tpu.enqueue_indirect_dma source(%dma_start3A_164 : memref<10000x64xf32, #tpu.memory_space<vmem_shared>>) target(%arg11 : memref<100x64xf32, #tpu.memory_space<vmem>>) offsets(%dma_start3A_161 : memref<100xi32, #tpu.memory_space<vmem>>) semaphore(%arg17 : memref<!tpu.dma_semaphore, #tpu.memory_space<semaphore_mem>>)
      } else {
      }
      %add3A_94 = arith.constant 0 : i32
      %add3A_95 = arith.addi %mul3A_78, %add3A_94 : i32
      "tpu.region"() ({
        %run_scoped3A = tpu.sem_alloc : memref<!tpu.dma_semaphore, #tpu.memory_space<semaphore_mem>>
        %dma_start3A_159 = arith.constant 0 : i32
        %dma_start3A_160 = tpu.memref_slice %arg7[%add3A_95, %dma_start3A_159] : memref<100x100xi32, #tpu.memory_space<vmem>> -> memref<1x100xi32, #tpu.memory_space<vmem>>
        %dma_start3A_161 = tpu.memref_squeeze %dma_start3A_160 : memref<1x100xi32, #tpu.memory_space<vmem>> -> memref<100xi32, #tpu.memory_space<vmem>>
        %dma_start3A_162 = arith.constant 0 : i32
        %dma_start3A_163 = arith.constant 0 : i32
        %dma_start3A_164 = tpu.memref_slice %arg13[%dma_start3A_162, %dma_start3A_163] : memref<10240x64xf32, #tpu.memory_space<vmem_shared>> -> memref<10240x64xf32, #tpu.memory_space<vmem_shared>>
        tpu.enqueue_indirect_dma source(%arg8 : memref<100x64xf32, #tpu.memory_space<vmem>>) target(%dma_start3A_164 : memref<10240x64xf32, #tpu.memory_space<vmem_shared>>) offsets(%dma_start3A_161 : memref<100xi32, #tpu.memory_space<vmem>>) semaphore(%run_scoped3A : memref<!tpu.dma_semaphore, #tpu.memory_space<semaphore_mem>>) {add = true}
        %dma_wait3A_165 = arith.constant 0 : i32
        %dma_wait3A_166 = tpu.memref_slice %arg7[%add3A_95, %dma_wait3A_165] : memref<100x100xi32, #tpu.memory_space<vmem>> -> memref<1x100xi32, #tpu.memory_space<vmem>>
        %dma_wait3A_167 = tpu.memref_squeeze %dma_wait3A_166 : memref<1x100xi32, #tpu.memory_space<vmem>> -> memref<100xi32, #tpu.memory_space<vmem>>
        %dma_wait3A_168 = arith.constant 0 : i32
        %dma_wait3A_169 = arith.constant 0 : i32
        %dma_wait3A_170 = tpu.memref_slice %arg13[%dma_wait3A_168, %dma_wait3A_169] : memref<10240x64xf32, #tpu.memory_space<vmem_shared>> -> memref<10240x64xf32, #tpu.memory_space<vmem_shared>>
        tpu.wait_indirect_dma semaphore(%run_scoped3A : memref<!tpu.dma_semaphore, #tpu.memory_space<semaphore_mem>>) src(%arg8 : memref<100x64xf32, #tpu.memory_space<vmem>>) dst(%dma_wait3A_170 : memref<10240x64xf32, #tpu.memory_space<vmem_shared>>)
        tpu.yield
      }) : () -> ()
      %add3A_96 = arith.constant 1 : i32
      %add3A_97 = arith.addi %mul3A_78, %add3A_96 : i32
      %dma_wait3A_98 = arith.constant 0 : i32
      %dma_wait3A_99 = tpu.memref_slice %arg6[%add3A_97, %dma_wait3A_98] : memref<100x100xi32, #tpu.memory_space<vmem>> -> memref<1x100xi32, #tpu.memory_space<vmem>>
      %dma_wait3A_100 = tpu.memref_squeeze %dma_wait3A_99 : memref<1x100xi32, #tpu.memory_space<vmem>> -> memref<100xi32, #tpu.memory_space<vmem>>
      %dma_wait3A_101 = arith.constant 0 : i32
      %dma_wait3A_102 = arith.constant 0 : i32
      %dma_wait3A_103 = tpu.memref_slice %arg12[%dma_wait3A_101, %dma_wait3A_102] : memref<10000x64xf32, #tpu.memory_space<vmem_shared>> -> memref<10000x64xf32, #tpu.memory_space<vmem_shared>>
      tpu.wait_indirect_dma semaphore(%arg15 : memref<!tpu.dma_semaphore, #tpu.memory_space<semaphore_mem>>) src(%dma_wait3A_103 : memref<10000x64xf32, #tpu.memory_space<vmem_shared>>) dst(%arg9 : memref<100x64xf32, #tpu.memory_space<vmem>>)
      %add3A_104 = arith.constant 1 : i32
      %add3A_105 = arith.addi %mul3A_78, %add3A_104 : i32
      %add3A_106 = arith.constant 4 : i32
      %add3A_107 = arith.addi %add3A_105, %add3A_106 : i32
      %sub3A_108 = arith.constant 1 : i32
      %sub3A_109 = arith.subi %add3A_107, %sub3A_108 : i32
      %lt3A_110 = arith.constant 100 : i32
      %lt3A_111 = arith.cmpi slt, %sub3A_109, %lt3A_110 : i32
      %convert_element_type3A_112 = arith.extui %lt3A_111 : i1 to i32
      %cond3A_113 = arith.constant 0 : i32
      %cond3A_114 = arith.cmpi ne, %convert_element_type3A_112, %cond3A_113 : i32
      scf.if %cond3A_114 {
        %dma_start3A_159 = arith.constant 0 : i32
        %dma_start3A_160 = tpu.memref_slice %arg6[%sub3A_109, %dma_start3A_159] : memref<100x100xi32, #tpu.memory_space<vmem>> -> memref<1x100xi32, #tpu.memory_space<vmem>>
        %dma_start3A_161 = tpu.memref_squeeze %dma_start3A_160 : memref<1x100xi32, #tpu.memory_space<vmem>> -> memref<100xi32, #tpu.memory_space<vmem>>
        %dma_start3A_162 = arith.constant 0 : i32
        %dma_start3A_163 = arith.constant 0 : i32
        %dma_start3A_164 = tpu.memref_slice %arg12[%dma_start3A_162, %dma_start3A_163] : memref<10000x64xf32, #tpu.memory_space<vmem_shared>> -> memref<10000x64xf32, #tpu.memory_space<vmem_shared>>
        tpu.enqueue_indirect_dma source(%dma_start3A_164 : memref<10000x64xf32, #tpu.memory_space<vmem_shared>>) target(%arg8 : memref<100x64xf32, #tpu.memory_space<vmem>>) offsets(%dma_start3A_161 : memref<100xi32, #tpu.memory_space<vmem>>) semaphore(%arg14 : memref<!tpu.dma_semaphore, #tpu.memory_space<semaphore_mem>>)
      } else {
      }
      %add3A_115 = arith.constant 1 : i32
      %add3A_116 = arith.addi %mul3A_78, %add3A_115 : i32
      "tpu.region"() ({
        %run_scoped3A = tpu.sem_alloc : memref<!tpu.dma_semaphore, #tpu.memory_space<semaphore_mem>>
        %dma_start3A_159 = arith.constant 0 : i32
        %dma_start3A_160 = tpu.memref_slice %arg7[%add3A_116, %dma_start3A_159] : memref<100x100xi32, #tpu.memory_space<vmem>> -> memref<1x100xi32, #tpu.memory_space<vmem>>
        %dma_start3A_161 = tpu.memref_squeeze %dma_start3A_160 : memref<1x100xi32, #tpu.memory_space<vmem>> -> memref<100xi32, #tpu.memory_space<vmem>>
        %dma_start3A_162 = arith.constant 0 : i32
        %dma_start3A_163 = arith.constant 0 : i32
        %dma_start3A_164 = tpu.memref_slice %arg13[%dma_start3A_162, %dma_start3A_163] : memref<10240x64xf32, #tpu.memory_space<vmem_shared>> -> memref<10240x64xf32, #tpu.memory_space<vmem_shared>>
        tpu.enqueue_indirect_dma source(%arg9 : memref<100x64xf32, #tpu.memory_space<vmem>>) target(%dma_start3A_164 : memref<10240x64xf32, #tpu.memory_space<vmem_shared>>) offsets(%dma_start3A_161 : memref<100xi32, #tpu.memory_space<vmem>>) semaphore(%run_scoped3A : memref<!tpu.dma_semaphore, #tpu.memory_space<semaphore_mem>>) {add = true}
        %dma_wait3A_165 = arith.constant 0 : i32
        %dma_wait3A_166 = tpu.memref_slice %arg7[%add3A_116, %dma_wait3A_165] : memref<100x100xi32, #tpu.memory_space<vmem>> -> memref<1x100xi32, #tpu.memory_space<vmem>>
        %dma_wait3A_167 = tpu.memref_squeeze %dma_wait3A_166 : memref<1x100xi32, #tpu.memory_space<vmem>> -> memref<100xi32, #tpu.memory_space<vmem>>
        %dma_wait3A_168 = arith.constant 0 : i32
        %dma_wait3A_169 = arith.constant 0 : i32
        %dma_wait3A_170 = tpu.memref_slice %arg13[%dma_wait3A_168, %dma_wait3A_169] : memref<10240x64xf32, #tpu.memory_space<vmem_shared>> -> memref<10240x64xf32, #tpu.memory_space<vmem_shared>>
        tpu.wait_indirect_dma semaphore(%run_scoped3A : memref<!tpu.dma_semaphore, #tpu.memory_space<semaphore_mem>>) src(%arg9 : memref<100x64xf32, #tpu.memory_space<vmem>>) dst(%dma_wait3A_170 : memref<10240x64xf32, #tpu.memory_space<vmem_shared>>)
        tpu.yield
      }) : () -> ()
      %add3A_117 = arith.constant 2 : i32
      %add3A_118 = arith.addi %mul3A_78, %add3A_117 : i32
      %dma_wait3A_119 = arith.constant 0 : i32
      %dma_wait3A_120 = tpu.memref_slice %arg6[%add3A_118, %dma_wait3A_119] : memref<100x100xi32, #tpu.memory_space<vmem>> -> memref<1x100xi32, #tpu.memory_space<vmem>>
      %dma_wait3A_121 = tpu.memref_squeeze %dma_wait3A_120 : memref<1x100xi32, #tpu.memory_space<vmem>> -> memref<100xi32, #tpu.memory_space<vmem>>
      %dma_wait3A_122 = arith.constant 0 : i32
      %dma_wait3A_123 = arith.constant 0 : i32
      %dma_wait3A_124 = tpu.memref_slice %arg12[%dma_wait3A_122, %dma_wait3A_123] : memref<10000x64xf32, #tpu.memory_space<vmem_shared>> -> memref<10000x64xf32, #tpu.memory_space<vmem_shared>>
      tpu.wait_indirect_dma semaphore(%arg16 : memref<!tpu.dma_semaphore, #tpu.memory_space<semaphore_mem>>) src(%dma_wait3A_124 : memref<10000x64xf32, #tpu.memory_space<vmem_shared>>) dst(%arg10 : memref<100x64xf32, #tpu.memory_space<vmem>>)
      %add3A_125 = arith.constant 2 : i32
      %add3A_126 = arith.addi %mul3A_78, %add3A_125 : i32
      %add3A_127 = arith.constant 4 : i32
      %add3A_128 = arith.addi %add3A_126, %add3A_127 : i32
      %sub3A_129 = arith.constant 1 : i32
      %sub3A_130 = arith.subi %add3A_128, %sub3A_129 : i32
      %lt3A_131 = arith.constant 100 : i32
      %lt3A_132 = arith.cmpi slt, %sub3A_130, %lt3A_131 : i32
      %convert_element_type3A_133 = arith.extui %lt3A_132 : i1 to i32
      %cond3A_134 = arith.constant 0 : i32
      %cond3A_135 = arith.cmpi ne, %convert_element_type3A_133, %cond3A_134 : i32
      scf.if %cond3A_135 {
        %dma_start3A_159 = arith.constant 0 : i32
        %dma_start3A_160 = tpu.memref_slice %arg6[%sub3A_130, %dma_start3A_159] : memref<100x100xi32, #tpu.memory_space<vmem>> -> memref<1x100xi32, #tpu.memory_space<vmem>>
        %dma_start3A_161 = tpu.memref_squeeze %dma_start3A_160 : memref<1x100xi32, #tpu.memory_space<vmem>> -> memref<100xi32, #tpu.memory_space<vmem>>
        %dma_start3A_162 = arith.constant 0 : i32
        %dma_start3A_163 = arith.constant 0 : i32
        %dma_start3A_164 = tpu.memref_slice %arg12[%dma_start3A_162, %dma_start3A_163] : memref<10000x64xf32, #tpu.memory_space<vmem_shared>> -> memref<10000x64xf32, #tpu.memory_space<vmem_shared>>
        tpu.enqueue_indirect_dma source(%dma_start3A_164 : memref<10000x64xf32, #tpu.memory_space<vmem_shared>>) target(%arg9 : memref<100x64xf32, #tpu.memory_space<vmem>>) offsets(%dma_start3A_161 : memref<100xi32, #tpu.memory_space<vmem>>) semaphore(%arg15 : memref<!tpu.dma_semaphore, #tpu.memory_space<semaphore_mem>>)
      } else {
      }
      %add3A_136 = arith.constant 2 : i32
      %add3A_137 = arith.addi %mul3A_78, %add3A_136 : i32
      "tpu.region"() ({
        %run_scoped3A = tpu.sem_alloc : memref<!tpu.dma_semaphore, #tpu.memory_space<semaphore_mem>>
        %dma_start3A_159 = arith.constant 0 : i32
        %dma_start3A_160 = tpu.memref_slice %arg7[%add3A_137, %dma_start3A_159] : memref<100x100xi32, #tpu.memory_space<vmem>> -> memref<1x100xi32, #tpu.memory_space<vmem>>
        %dma_start3A_161 = tpu.memref_squeeze %dma_start3A_160 : memref<1x100xi32, #tpu.memory_space<vmem>> -> memref<100xi32, #tpu.memory_space<vmem>>
        %dma_start3A_162 = arith.constant 0 : i32
        %dma_start3A_163 = arith.constant 0 : i32
        %dma_start3A_164 = tpu.memref_slice %arg13[%dma_start3A_162, %dma_start3A_163] : memref<10240x64xf32, #tpu.memory_space<vmem_shared>> -> memref<10240x64xf32, #tpu.memory_space<vmem_shared>>
        tpu.enqueue_indirect_dma source(%arg10 : memref<100x64xf32, #tpu.memory_space<vmem>>) target(%dma_start3A_164 : memref<10240x64xf32, #tpu.memory_space<vmem_shared>>) offsets(%dma_start3A_161 : memref<100xi32, #tpu.memory_space<vmem>>) semaphore(%run_scoped3A : memref<!tpu.dma_semaphore, #tpu.memory_space<semaphore_mem>>) {add = true}
        %dma_wait3A_165 = arith.constant 0 : i32
        %dma_wait3A_166 = tpu.memref_slice %arg7[%add3A_137, %dma_wait3A_165] : memref<100x100xi32, #tpu.memory_space<vmem>> -> memref<1x100xi32, #tpu.memory_space<vmem>>
        %dma_wait3A_167 = tpu.memref_squeeze %dma_wait3A_166 : memref<1x100xi32, #tpu.memory_space<vmem>> -> memref<100xi32, #tpu.memory_space<vmem>>
        %dma_wait3A_168 = arith.constant 0 : i32
        %dma_wait3A_169 = arith.constant 0 : i32
        %dma_wait3A_170 = tpu.memref_slice %arg13[%dma_wait3A_168, %dma_wait3A_169] : memref<10240x64xf32, #tpu.memory_space<vmem_shared>> -> memref<10240x64xf32, #tpu.memory_space<vmem_shared>>
        tpu.wait_indirect_dma semaphore(%run_scoped3A : memref<!tpu.dma_semaphore, #tpu.memory_space<semaphore_mem>>) src(%arg10 : memref<100x64xf32, #tpu.memory_space<vmem>>) dst(%dma_wait3A_170 : memref<10240x64xf32, #tpu.memory_space<vmem_shared>>)
        tpu.yield
      }) : () -> ()
      %add3A_138 = arith.constant 3 : i32
      %add3A_139 = arith.addi %mul3A_78, %add3A_138 : i32
      %dma_wait3A_140 = arith.constant 0 : i32
      %dma_wait3A_141 = tpu.memref_slice %arg6[%add3A_139, %dma_wait3A_140] : memref<100x100xi32, #tpu.memory_space<vmem>> -> memref<1x100xi32, #tpu.memory_space<vmem>>
      %dma_wait3A_142 = tpu.memref_squeeze %dma_wait3A_141 : memref<1x100xi32, #tpu.memory_space<vmem>> -> memref<100xi32, #tpu.memory_space<vmem>>
      %dma_wait3A_143 = arith.constant 0 : i32
      %dma_wait3A_144 = arith.constant 0 : i32
      %dma_wait3A_145 = tpu.memref_slice %arg12[%dma_wait3A_143, %dma_wait3A_144] : memref<10000x64xf32, #tpu.memory_space<vmem_shared>> -> memref<10000x64xf32, #tpu.memory_space<vmem_shared>>
      tpu.wait_indirect_dma semaphore(%arg17 : memref<!tpu.dma_semaphore, #tpu.memory_space<semaphore_mem>>) src(%dma_wait3A_145 : memref<10000x64xf32, #tpu.memory_space<vmem_shared>>) dst(%arg11 : memref<100x64xf32, #tpu.memory_space<vmem>>)
      %add3A_146 = arith.constant 3 : i32
      %add3A_147 = arith.addi %mul3A_78, %add3A_146 : i32
      %add3A_148 = arith.constant 4 : i32
      %add3A_149 = arith.addi %add3A_147, %add3A_148 : i32
      %sub3A_150 = arith.constant 1 : i32
      %sub3A_151 = arith.subi %add3A_149, %sub3A_150 : i32
      %lt3A_152 = arith.constant 100 : i32
      %lt3A_153 = arith.cmpi slt, %sub3A_151, %lt3A_152 : i32
      %convert_element_type3A_154 = arith.extui %lt3A_153 : i1 to i32
      %cond3A_155 = arith.constant 0 : i32
      %cond3A_156 = arith.cmpi ne, %convert_element_type3A_154, %cond3A_155 : i32
      scf.if %cond3A_156 {
        %dma_start3A_159 = arith.constant 0 : i32
        %dma_start3A_160 = tpu.memref_slice %arg6[%sub3A_151, %dma_start3A_159] : memref<100x100xi32, #tpu.memory_space<vmem>> -> memref<1x100xi32, #tpu.memory_space<vmem>>
        %dma_start3A_161 = tpu.memref_squeeze %dma_start3A_160 : memref<1x100xi32, #tpu.memory_space<vmem>> -> memref<100xi32, #tpu.memory_space<vmem>>
        %dma_start3A_162 = arith.constant 0 : i32
        %dma_start3A_163 = arith.constant 0 : i32
        %dma_start3A_164 = tpu.memref_slice %arg12[%dma_start3A_162, %dma_start3A_163] : memref<10000x64xf32, #tpu.memory_space<vmem_shared>> -> memref<10000x64xf32, #tpu.memory_space<vmem_shared>>
        tpu.enqueue_indirect_dma source(%dma_start3A_164 : memref<10000x64xf32, #tpu.memory_space<vmem_shared>>) target(%arg10 : memref<100x64xf32, #tpu.memory_space<vmem>>) offsets(%dma_start3A_161 : memref<100xi32, #tpu.memory_space<vmem>>) semaphore(%arg16 : memref<!tpu.dma_semaphore, #tpu.memory_space<semaphore_mem>>)
      } else {
      }
      %add3A_157 = arith.constant 3 : i32
      %add3A_158 = arith.addi %mul3A_78, %add3A_157 : i32
      "tpu.region"() ({
        %run_scoped3A = tpu.sem_alloc : memref<!tpu.dma_semaphore, #tpu.memory_space<semaphore_mem>>
        %dma_start3A_159 = arith.constant 0 : i32
        %dma_start3A_160 = tpu.memref_slice %arg7[%add3A_158, %dma_start3A_159] : memref<100x100xi32, #tpu.memory_space<vmem>> -> memref<1x100xi32, #tpu.memory_space<vmem>>
        %dma_start3A_161 = tpu.memref_squeeze %dma_start3A_160 : memref<1x100xi32, #tpu.memory_space<vmem>> -> memref<100xi32, #tpu.memory_space<vmem>>
        %dma_start3A_162 = arith.constant 0 : i32
        %dma_start3A_163 = arith.constant 0 : i32
        %dma_start3A_164 = tpu.memref_slice %arg13[%dma_start3A_162, %dma_start3A_163] : memref<10240x64xf32, #tpu.memory_space<vmem_shared>> -> memref<10240x64xf32, #tpu.memory_space<vmem_shared>>
        tpu.enqueue_indirect_dma source(%arg11 : memref<100x64xf32, #tpu.memory_space<vmem>>) target(%dma_start3A_164 : memref<10240x64xf32, #tpu.memory_space<vmem_shared>>) offsets(%dma_start3A_161 : memref<100xi32, #tpu.memory_space<vmem>>) semaphore(%run_scoped3A : memref<!tpu.dma_semaphore, #tpu.memory_space<semaphore_mem>>) {add = true}
        %dma_wait3A_165 = arith.constant 0 : i32
        %dma_wait3A_166 = tpu.memref_slice %arg7[%add3A_158, %dma_wait3A_165] : memref<100x100xi32, #tpu.memory_space<vmem>> -> memref<1x100xi32, #tpu.memory_space<vmem>>
        %dma_wait3A_167 = tpu.memref_squeeze %dma_wait3A_166 : memref<1x100xi32, #tpu.memory_space<vmem>> -> memref<100xi32, #tpu.memory_space<vmem>>
        %dma_wait3A_168 = arith.constant 0 : i32
        %dma_wait3A_169 = arith.constant 0 : i32
        %dma_wait3A_170 = tpu.memref_slice %arg13[%dma_wait3A_168, %dma_wait3A_169] : memref<10240x64xf32, #tpu.memory_space<vmem_shared>> -> memref<10240x64xf32, #tpu.memory_space<vmem_shared>>
        tpu.wait_indirect_dma semaphore(%run_scoped3A : memref<!tpu.dma_semaphore, #tpu.memory_space<semaphore_mem>>) src(%arg11 : memref<100x64xf32, #tpu.memory_space<vmem>>) dst(%dma_wait3A_170 : memref<10240x64xf32, #tpu.memory_space<vmem_shared>>)
        tpu.yield
      }) : () -> ()
    }
    %scan3A_63 = arith.constant 25 : i32
    %barrier3A_64 = arith.constant 0 : index
    tpu.barrier barrier_id(%barrier3A_64)
    %mul3A_65 = arith.constant 640 : i32
    %mul3A_66 = arith.muli %arg1, %mul3A_65 : i32
    %mul3A_67 = arith.constant 10240 : i32
    %mul3A_68 = arith.muli %arg0, %mul3A_67 : i32
    %mul3A_69 = arith.constant 640 : i32
    %mul3A_70 = arith.muli %arg1, %mul3A_69 : i32
    %add3A_71 = arith.addi %mul3A_68, %mul3A_70 : i32
    "tpu.region"() ({
      %run_scoped3A = tpu.sem_alloc : memref<!tpu.dma_semaphore, #tpu.memory_space<semaphore_mem>>
      %dma_start3A_72 = arith.constant 0 : i32
      %dma_start3A_73 = tpu.memref_slice %arg5[%add3A_71, %dma_start3A_72] : memref<20480x64xf32, #tpu.memory_space<hbm>> -> memref<640x64xf32, #tpu.memory_space<hbm>>
      %dma_start3A_74 = arith.constant 0 : i32
      %dma_start3A_75 = tpu.memref_slice %arg13[%mul3A_66, %dma_start3A_74] : memref<10240x64xf32, #tpu.memory_space<vmem_shared>> -> memref<640x64xf32, #tpu.memory_space<vmem_shared>>
      tpu.enqueue_dma source(%dma_start3A_75 : memref<640x64xf32, #tpu.memory_space<vmem_shared>>) target(%dma_start3A_73 : memref<640x64xf32, #tpu.memory_space<hbm>>) target_semaphore(%run_scoped3A : memref<!tpu.dma_semaphore, #tpu.memory_space<semaphore_mem>>)
      %dma_wait3A = arith.constant 0 : i32
      %dma_wait3A_76 = tpu.memref_slice %arg5[%add3A_71, %dma_wait3A] : memref<20480x64xf32, #tpu.memory_space<hbm>> -> memref<640x64xf32, #tpu.memory_space<hbm>>
      %dma_wait3A_77 = arith.constant 0 : i32
      %dma_wait3A_78 = tpu.memref_slice %arg13[%mul3A_66, %dma_wait3A_77] : memref<10240x64xf32, #tpu.memory_space<vmem_shared>> -> memref<640x64xf32, #tpu.memory_space<vmem_shared>>
      tpu.wait_dma2 semaphore(%run_scoped3A : memref<!tpu.dma_semaphore, #tpu.memory_space<semaphore_mem>>) src(%dma_wait3A_78 : memref<640x64xf32, #tpu.memory_space<vmem_shared>>) dst(%dma_wait3A_76 : memref<640x64xf32, #tpu.memory_space<hbm>>)
      tpu.yield
    }) : () -> ()
    return
  }
}

module attributes {stable_mosaic.version = 14 : i64} {
  func.func @_prep_body(%arg0: memref<10000x128xf32, #tpu.memory_space<vmem>>, %arg1: memref<128x128xf32, #tpu.memory_space<vmem>>, %arg2: memref<32x10000xf32, #tpu.memory_space<vmem>>, %arg3: memref<10000x128xf32, #tpu.memory_space<vmem>>, %arg4: memref<10000x1xf32, #tpu.memory_space<vmem>>) attributes {dimension_semantics = [], scalar_prefetch = 0 : i64, scratch_operands = 0 : i64, tpu.core_type = #tpu.core_type<tc>} {
    %get3A = arith.constant 0 : index
    %get3A_0 = arith.constant 0 : index
    %get3A_1 = vector.load %arg0[%get3A, %get3A_0] : memref<10000x128xf32, #tpu.memory_space<vmem>>, vector<10000x128xf32>
    %get3A_2 = arith.constant 0 : index
    %get3A_3 = arith.constant 0 : index
    %get3A_4 = vector.load %arg1[%get3A_2, %get3A_3] : memref<128x128xf32, #tpu.memory_space<vmem>>, vector<128x128xf32>
    %dot_general3A = arith.constant dense<0.000000e+00> : vector<10000x128xf32>
    %dot_general3A_5 = tpu.matmul %get3A_1, %get3A_4, %dot_general3A {dimension_numbers = #tpu.dot_dimension_numbers<[1], [0], [0], [1], [0, 0, 1, 1], [], []>, transpose_lhs_hint = false} : vector<10000x128xf32>, vector<128x128xf32>, vector<10000x128xf32> -> vector<10000x128xf32>
    %broadcast_in_dim3A = arith.constant 1.000000e+00 : f32
    %broadcast_in_dim3A_6 = vector.broadcast %broadcast_in_dim3A : f32 to vector<32x1xf32>
    %get3A_7 = arith.constant 0 : index
    %get3A_8 = arith.constant 0 : index
    %get3A_9 = vector.load %arg2[%get3A_7, %get3A_8] : memref<32x10000xf32, #tpu.memory_space<vmem>>, vector<32x10000xf32>
    %dot_general3A_10 = arith.constant dense<0.000000e+00> : vector<10000x1xf32>
    %dot_general3A_11 = tpu.matmul %get3A_9, %broadcast_in_dim3A_6, %dot_general3A_10 {dimension_numbers = #tpu.dot_dimension_numbers<[0], [0], [1], [1], [0, 1, 1, 1], [], []>, transpose_lhs_hint = false} : vector<32x10000xf32>, vector<32x1xf32>, vector<10000x1xf32> -> vector<10000x1xf32>
    %add3A = arith.constant 1.000000e+00 : f32
    %add3A_12 = vector.broadcast %add3A : f32 to vector<10000x1xf32>
    %add3A_13 = arith.addf %dot_general3A_11, %add3A_12 : vector<10000x1xf32>
    %rsqrt3A = math.rsqrt %add3A_13 : vector<10000x1xf32>
    %swap3A = arith.constant 0 : index
    %swap3A_14 = arith.constant 0 : index
    %swap3A_15 = vector.load %arg4[%swap3A, %swap3A_14] : memref<10000x1xf32, #tpu.memory_space<vmem>>, vector<10000x1xf32>
    tpu.vector_store %arg4[%swap3A, %swap3A_14], %rsqrt3A {strides = array<i32>} : memref<10000x1xf32, #tpu.memory_space<vmem>>, vector<10000x1xf32>,
    %mul3A = vector.broadcast %rsqrt3A : vector<10000x1xf32> to vector<10000x128xf32>
    %mul3A_16 = arith.mulf %dot_general3A_5, %mul3A : vector<10000x128xf32>
    %swap3A_17 = arith.constant 0 : index
    %swap3A_18 = arith.constant 0 : index
    %swap3A_19 = vector.load %arg3[%swap3A_17, %swap3A_18] : memref<10000x128xf32, #tpu.memory_space<vmem>>, vector<10000x128xf32>
    tpu.vector_store %arg3[%swap3A_17, %swap3A_18], %mul3A_16 {strides = array<i32>} : memref<10000x128xf32, #tpu.memory_space<vmem>>, vector<10000x128xf32>,
    return
  }
}

module attributes {stable_mosaic.version = 14 : i64} {
  func.func @_mid_body(%arg0: memref<20480x128xf32, #tpu.memory_space<vmem>>, %arg1: memref<10000x128xf32, #tpu.memory_space<vmem>>, %arg2: memref<10000x1xf32, #tpu.memory_space<vmem>>, %arg3: memref<1x128xf32, #tpu.memory_space<vmem>>, %arg4: memref<128x64xf32, #tpu.memory_space<vmem>>, %arg5: memref<10000x64xf32, #tpu.memory_space<vmem>>) attributes {dimension_semantics = [], scalar_prefetch = 0 : i64, scratch_operands = 0 : i64, tpu.core_type = #tpu.core_type<tc>} {
    %get3A = arith.constant 0 : index
    %get3A_0 = arith.constant 0 : index
    %get3A_1 = vector.load %arg2[%get3A, %get3A_0] : memref<10000x1xf32, #tpu.memory_space<vmem>>, vector<10000x1xf32>
    %get3A_2 = arith.constant 0 : index
    %get3A_3 = arith.constant 0 : index
    %get3A_4 = vector.load %arg0[%get3A_2, %get3A_3] : memref<20480x128xf32, #tpu.memory_space<vmem>>, vector<20480x128xf32>
    %slice3A = vector.extract_strided_slice %get3A_4 {offsets = [0, 0], sizes = [10000, 128], strides = [1, 1]} : vector<20480x128xf32> to vector<10000x128xf32>
    %slice3A_5 = vector.extract_strided_slice %get3A_4 {offsets = [10240, 0], sizes = [10000, 128], strides = [1, 1]} : vector<20480x128xf32> to vector<10000x128xf32>
    %add3A = arith.addf %slice3A, %slice3A_5 : vector<10000x128xf32>
    %get3A_6 = arith.constant 0 : index
    %get3A_7 = arith.constant 0 : index
    %get3A_8 = vector.load %arg1[%get3A_6, %get3A_7] : memref<10000x128xf32, #tpu.memory_space<vmem>>, vector<10000x128xf32>
    %add3A_9 = arith.addf %add3A, %get3A_8 : vector<10000x128xf32>
    %mul3A = vector.broadcast %get3A_1 : vector<10000x1xf32> to vector<10000x128xf32>
    %mul3A_10 = arith.mulf %add3A_9, %mul3A : vector<10000x128xf32>
    %get3A_11 = arith.constant 0 : index
    %get3A_12 = arith.constant 0 : index
    %get3A_13 = vector.load %arg3[%get3A_11, %get3A_12] : memref<1x128xf32, #tpu.memory_space<vmem>>, vector<1x128xf32>
    %add3A_14 = vector.broadcast %get3A_13 : vector<1x128xf32> to vector<10000x128xf32>
    %add3A_15 = arith.addf %mul3A_10, %add3A_14 : vector<10000x128xf32>
    %max3A = arith.constant 0.000000e+00 : f32
    %max3A_16 = vector.broadcast %max3A : f32 to vector<10000x128xf32>
    %max3A_17 = arith.maximumf %add3A_15, %max3A_16 : vector<10000x128xf32>
    %get3A_18 = arith.constant 0 : index
    %get3A_19 = arith.constant 0 : index
    %get3A_20 = vector.load %arg4[%get3A_18, %get3A_19] : memref<128x64xf32, #tpu.memory_space<vmem>>, vector<128x64xf32>
    %dot_general3A = arith.constant dense<0.000000e+00> : vector<10000x64xf32>
    %dot_general3A_21 = tpu.matmul %max3A_17, %get3A_20, %dot_general3A {dimension_numbers = #tpu.dot_dimension_numbers<[1], [0], [0], [1], [0, 0, 1, 1], [], []>, transpose_lhs_hint = false} : vector<10000x128xf32>, vector<128x64xf32>, vector<10000x64xf32> -> vector<10000x64xf32>
    %mul3A_22 = vector.broadcast %get3A_1 : vector<10000x1xf32> to vector<10000x64xf32>
    %mul3A_23 = arith.mulf %dot_general3A_21, %mul3A_22 : vector<10000x64xf32>
    %swap3A = arith.constant 0 : index
    %swap3A_24 = arith.constant 0 : index
    %swap3A_25 = vector.load %arg5[%swap3A, %swap3A_24] : memref<10000x64xf32, #tpu.memory_space<vmem>>, vector<10000x64xf32>
    tpu.vector_store %arg5[%swap3A, %swap3A_24], %mul3A_23 {strides = array<i32>} : memref<10000x64xf32, #tpu.memory_space<vmem>>, vector<10000x64xf32>,
    return
  }
}

module attributes {stable_mosaic.version = 14 : i64} {
  func.func @_out_body(%arg0: memref<20480x64xf32, #tpu.memory_space<vmem>>, %arg1: memref<10000x64xf32, #tpu.memory_space<vmem>>, %arg2: memref<10000x1xf32, #tpu.memory_space<vmem>>, %arg3: memref<1x64xf32, #tpu.memory_space<vmem>>, %arg4: memref<1x10000xi32, #tpu.memory_space<vmem>>, %arg5: memref<128x64xf32, #tpu.memory_space<vmem>>, %arg6: memref<10000x64xf32, #tpu.memory_space<vmem>>) attributes {dimension_semantics = [], scalar_prefetch = 0 : i64, scratch_operands = 0 : i64, tpu.core_type = #tpu.core_type<tc>} {
    %get3A = arith.constant 0 : index
    %get3A_0 = arith.constant 0 : index
    %get3A_1 = vector.load %arg0[%get3A, %get3A_0] : memref<20480x64xf32, #tpu.memory_space<vmem>>, vector<20480x64xf32>
    %slice3A = vector.extract_strided_slice %get3A_1 {offsets = [0, 0], sizes = [10000, 64], strides = [1, 1]} : vector<20480x64xf32> to vector<10000x64xf32>
    %slice3A_2 = vector.extract_strided_slice %get3A_1 {offsets = [10240, 0], sizes = [10000, 64], strides = [1, 1]} : vector<20480x64xf32> to vector<10000x64xf32>
    %add3A = arith.addf %slice3A, %slice3A_2 : vector<10000x64xf32>
    %get3A_3 = arith.constant 0 : index
    %get3A_4 = arith.constant 0 : index
    %get3A_5 = vector.load %arg1[%get3A_3, %get3A_4] : memref<10000x64xf32, #tpu.memory_space<vmem>>, vector<10000x64xf32>
    %add3A_6 = arith.addf %add3A, %get3A_5 : vector<10000x64xf32>
    %get3A_7 = arith.constant 0 : index
    %get3A_8 = arith.constant 0 : index
    %get3A_9 = vector.load %arg2[%get3A_7, %get3A_8] : memref<10000x1xf32, #tpu.memory_space<vmem>>, vector<10000x1xf32>
    %mul3A = vector.broadcast %get3A_9 : vector<10000x1xf32> to vector<10000x64xf32>
    %mul3A_10 = arith.mulf %add3A_6, %mul3A : vector<10000x64xf32>
    %get3A_11 = arith.constant 0 : index
    %get3A_12 = arith.constant 0 : index
    %get3A_13 = vector.load %arg3[%get3A_11, %get3A_12] : memref<1x64xf32, #tpu.memory_space<vmem>>, vector<1x64xf32>
    %add3A_14 = vector.broadcast %get3A_13 : vector<1x64xf32> to vector<10000x64xf32>
    %add3A_15 = arith.addf %mul3A_10, %add3A_14 : vector<10000x64xf32>
    %swap3A = arith.constant 0 : index
    %swap3A_16 = arith.constant 0 : index
    %swap3A_17 = vector.load %arg6[%swap3A, %swap3A_16] : memref<10000x64xf32, #tpu.memory_space<vmem>>, vector<10000x64xf32>
    tpu.vector_store %arg6[%swap3A, %swap3A_16], %add3A_15 {strides = array<i32>} : memref<10000x64xf32, #tpu.memory_space<vmem>>, vector<10000x64xf32>,
    %iota3A = tpu.iota {dimensions = array<i32: 0>} : vector<128x10000xi32>
    %get3A_18 = arith.constant 0 : index
    %get3A_19 = arith.constant 0 : index
    %get3A_20 = vector.load %arg4[%get3A_18, %get3A_19] : memref<1x10000xi32, #tpu.memory_space<vmem>>, vector<1x10000xi32>
    %eq3A = vector.broadcast %get3A_20 : vector<1x10000xi32> to vector<128x10000xi32>
    %eq3A_21 = arith.cmpi eq, %eq3A, %iota3A : vector<128x10000xi32>
    %convert_element_type3A = arith.extui %eq3A_21 : vector<128x10000xi1> to vector<128x10000xi32>
    %convert_element_type3A_22 = arith.sitofp %convert_element_type3A : vector<128x10000xi32> to vector<128x10000xf32>
    %dot_general3A = arith.constant dense<0.000000e+00> : vector<128x64xf32>
    %dot_general3A_23 = tpu.matmul %convert_element_type3A_22, %add3A_15, %dot_general3A {dimension_numbers = #tpu.dot_dimension_numbers<[1], [0], [0], [1], [0, 0, 1, 1], [], []>, transpose_lhs_hint = false} : vector<128x10000xf32>, vector<10000x64xf32>, vector<128x64xf32> -> vector<128x64xf32>
    %swap3A_24 = arith.constant 0 : index
    %swap3A_25 = arith.constant 0 : index
    %swap3A_26 = vector.load %arg5[%swap3A_24, %swap3A_25] : memref<128x64xf32, #tpu.memory_space<vmem>>, vector<128x64xf32>
    tpu.vector_store %arg5[%swap3A_24, %swap3A_25], %dot_general3A_23 {strides = array<i32>} : memref<128x64xf32, #tpu.memory_space<vmem>>, vector<128x64xf32>,
    return
  }
}

</mosaic_0001>

<sc_bundles>
// kernel: kernel.11.cloned.1.call-start
scs
__scs_entry_jumppad:
0x0: {  	(pc) =	sbr.rel $0x88, $3  }
0x1: {  	(tag) =	ssettag $0x0;
	lr =	simm.s32 $0x1  }
0x2: {  	[smem:$0x3F9A] =	sst lr;
	_ =	strace $0xD0000000  }
0x3: {  	_ = 	snop  }
0x4: {  	_ = 	snop  }
0x5: {  	_ = 	snop  }
0x6: {  	_ = 	snop  }
0x7: {  	_ = 	snop  }
__scs_overlays_trampoline_lowered:
0x8: {  	[smem:$0x3FA9] =	sst s0  }
0x9: {  	[smem:$0x3FAA] =	sst s1  }
0xa: {  	[smem:$0x3FAB] =	sst s2  }
0xb: {  	[smem:$0x3FAC] =	sst s3  }
0xc: {  	[smem:$0x3FAD] =	sst s4  }
0xd: {  	[smem:$0x3FAE] =	sst s5  }
0xe: {  	[smem:$0x3FAF] =	sst s6  }
0xf: {  	[smem:$0x3FB0] =	sst s7  }
0x10: {  	[smem:$0x3FB1] =	sst s8  }
0x11: {  	[smem:$0x3FB2] =	sst s9;
	s0 =	simm.s32 @!p0 $0x0  }
0x12: {  	s1 =	sld [smem:$0x3F98];
	s0 =	simm.s32 @p0 $0x1  }
0x13: {  	[smem:$0x3FB3] =	sst s0;
	s0 =	simm.s32 @!p1 $0x0  }
0x14: {  	s2 =	sld [smem:$0x3F97];
	s0 =	simm.s32 @p1 $0x1  }
0x15: {  	[smem:$0x3FB4] =	sst s0;
	s0 =	simm.s32 @!p2 $0x0  }
0x16: {  	s3 =	sld [smem:$0x3FDB];
	s0 =	simm.s32 @p2 $0x1  }
0x17: {  	s4 =	simm.s32 $0x1BF5;
	[smem:$0x3FB6] =	sst s0  }
0x18: {  	s0 =	sld [smem:$0x3F99];
	_ =	swait.ge [sflag:s4], $0x0  }
0x19: {  	s7 =	sld [smem:$0x3F9A]  }
0x1a: {  	s8 =	sadd.s32 $0xFFFFE003, lr  }
0x1b: {  	s9 =	sadd.s32 $0xFFFFFEF7, lr;
	s5 =	simm.s32 $0xFFFFFFFF;
	p2 =	slt.u32 s8, $0xFFFFF086  }
0x1c: {  	p1 =	slt.u32 s9, $0xF7A;
	s5 =	simm.s32 @!p2 $0x0  }
0x1d: {  	s5 =	simm.s32 @p1 $0x1;
	p0 =	seq.s32 s7, s2  }
0x1e: {  	s7 =	smul.u32 @!p0 $0xF7A, s2;
	p2 =	seq.s32 @!p0 s5, $0x0  }
0x1f: {  	s9 =	smul.u32 $0xF7A, s1;
	s8 =	simm.s32 @!p0 $0x1BF5;
	p2 =	por !p2, p0  }
0x20: {  	[sflag:s8] =	ssyncset.s32 @!p0 $0xFFFFF086;
	s6 =	sadd.s32 @!p0 s3, s7;
	s7 =	simm.s32 @!p0 $0x108  }
0x21: {  	s3 =	sadd.s32 s3, s9;
	s6 =	sadd.s32 @!p0 $0x88, s6;
	s7 =	simm.s32 @p2 $0x1082  }
0x22: {  	[simem:s7], [sflag:s8] =	dma.local @!p0 [hbm:s6], $0xF7A  }
0x23: {  	s9 =	sor.u32 $0xD0000000, s2;
	s6 =	simm.s32 $0x108;
	_ =	swait.ge @!p0 [sflag:s8], $0x0  }
0x24: {  	s3 =	sadd.s32 $0x88, s3;
	s6 =	simm.s32 @!p1 $0x1082;
	[sflag:s4] =	ssyncset.s32 $0xFFFFF086  }
0x25: {  	[simem:s6], [sflag:s4] =	dma.local [hbm:s3], $0xF7A  }
0x26: {  	[smem:$0x3F9A] =	sst s1;
	(tag) =	ssettag s2;
	_ =	strace s9  }
0x27: {  	s1 =	sld [smem:$0x3FAA]  }
0x28: {  	s2 =	sld [smem:$0x3FAB]  }
0x29: {  	s4 =	sld [smem:$0x3FAD]  }
0x2a: {  	p0 =	seq.s32 s5, $0x0;
	s5 =	sld [smem:$0x3FAE]  }
0x2b: {  	s6 =	sld [smem:$0x3FAF]  }
0x2c: {  	s7 =	sld [smem:$0x3FB0]  }
0x2d: {  	s3 =	simm.s32 $0x108;
	s8 =	sld [smem:$0x3FB1]  }
0x2e: {  	s3 =	simm.s32 @!p0 $0x1082;
	s9 =	sld [smem:$0x3FB2]  }
0x2f: {  	lr =	sadd.s32 s0, s3;
	s0 =	sld [smem:$0x3FA9]  }
0x30: {  	s3 =	sld [smem:$0x3FAC]  }
0x31: {  	[smem:$0x3FB5] =	sst s10  }
0x32: {  	s10 =	sld [smem:$0x3FB3];
	_ =	sdelay $0x3  }
0x33: {  	p0 =	seq.s32 s10, $0x1;
	s10 =	sld [smem:$0x3FB5];
	_ =	sdelay $0x3  }
0x34: {  	[smem:$0x3FB5] =	sst s10  }
0x35: {  	s10 =	sld [smem:$0x3FB4];
	_ =	sdelay $0x3  }
0x36: {  	p1 =	seq.s32 s10, $0x1;
	s10 =	sld [smem:$0x3FB5];
	_ =	sdelay $0x3  }
0x37: {  	[smem:$0x3FB5] =	sst s10  }
0x38: {  	s10 =	sld [smem:$0x3FB6]  }
0x39: {  	_ = 	snop;
	(pc) =	sbr.ind lr, $3  }
0x3a: {  	_ = 	snop  }
0x3b: {  	_ = 	snop  }
0x3c: {  	p2 =	seq.s32 s10, $0x1;
	s10 =	sld [smem:$0x3FB5]  }
0x3d: {  	_ =	shalt  }
0x3e: {  	_ =	shalt  }
0x3f: {  	_ =	shalt  }
0x40: {  	_ =	shalt  }
0x41: {  	_ =	shalt  }
0x42: {  	_ =	shalt  }
0x43: {  	_ =	shalt  }
0x44: {  	_ =	shalt  }
0x45: {  	_ =	shalt  }
0x46: {  	_ =	shalt  }
0x47: {  	_ =	shalt  }
0x48: {  	_ =	shalt  }
0x49: {  	_ =	shalt  }
0x4a: {  	_ =	shalt  }
0x4b: {  	_ =	shalt  }
0x4c: {  	_ =	shalt  }
0x4d: {  	_ =	shalt  }
0x4e: {  	_ =	shalt  }
0x4f: {  	_ =	shalt  }
0x50: {  	_ =	shalt  }
0x51: {  	_ =	shalt  }
0x52: {  	_ =	shalt  }
0x53: {  	_ =	shalt  }
0x54: {  	_ =	shalt  }
0x55: {  	_ =	shalt  }
0x56: {  	_ =	shalt  }
0x57: {  	_ =	shalt  }
0x58: {  	_ =	shalt  }
0x59: {  	_ =	shalt  }
0x5a: {  	_ =	shalt  }
0x5b: {  	_ =	shalt  }
0x5c: {  	_ =	shalt  }
0x5d: {  	_ =	shalt  }
0x5e: {  	_ =	shalt  }
0x5f: {  	_ =	shalt  }
0x60: {  	_ =	shalt  }
0x61: {  	_ =	shalt  }
0x62: {  	_ =	shalt  }
0x63: {  	_ =	shalt  }
0x64: {  	_ =	shalt  }
0x65: {  	_ =	shalt  }
0x66: {  	_ =	shalt  }
0x67: {  	_ =	shalt  }
0x68: {  	_ =	shalt  }
0x69: {  	_ =	shalt  }
0x6a: {  	_ =	shalt  }
0x6b: {  	_ =	shalt  }
0x6c: {  	_ =	shalt  }
0x6d: {  	_ =	shalt  }
0x6e: {  	_ =	shalt  }
0x6f: {  	_ =	shalt  }
0x70: {  	_ =	shalt  }
0x71: {  	_ =	shalt  }
0x72: {  	_ =	shalt  }
0x73: {  	_ =	shalt  }
0x74: {  	_ =	shalt  }
0x75: {  	_ =	shalt  }
0x76: {  	_ =	shalt  }
0x77: {  	_ =	shalt  }
0x78: {  	_ =	shalt  }
0x79: {  	_ =	shalt  }
0x7a: {  	_ =	shalt  }
0x7b: {  	_ =	shalt  }
0x7c: {  	_ =	shalt  }
0x7d: {  	_ =	shalt  }
0x7e: {  	_ =	shalt  }
0x7f: {  	_ =	shalt  }
0x80: {  	_ =	shalt  }
0x81: {  	_ =	shalt  }
0x82: {  	_ =	shalt  }
0x83: {  	_ =	shalt  }
0x84: {  	_ =	shalt  }
0x85: {  	_ =	shalt  }
0x86: {  	_ =	shalt  }
0x87: {  	_ =	shalt  }
.Lfunc_end0:
.L_simem_size_0:
called_computation.1_lowered:
.L_overlay_start_0:
0x88: {  	s2 =	sld [smem:$0x3FD9]  }
0x89: {  	s3 =	sld [smem:$0x3FFE];
	_ =	sdelay $0x1  }
0x8a: {  	s1 =	srdreg.scid  }
0x8b: {  	s0 =	sand.u32 $0x1, s1  }
0x8c: {  	s14 =	sshll.u32 s0, $0xA;
	s2 =	sadd.s32 s3, s2  }
0x8d: {  	s2 =	sadd.s32 s2, s14  }
0x8e: {  	[smem:$0x3FC1] =	sst s2  }
0x8f: {  	_ = 	snop  }
0x90: {  	s2 =	sld [smem:$0x3FD0];
	_ =	sdelay $0x2  }
0x91: {  	s15 =	simm.s32 $0xA;
	s4 =	simm.s32 $0x10  }
0x92: {  	[smem:s4], [sflag:s15] =	dma.local [hbm:s2], $0x1  }
0x93: {  	_ =	swait.eq [sflag:s15], $0x1  }
0x94: {  	[sflag:s15] =	ssyncset.done $0x0  }
0x95: {  	[sflag:s15] =	ssyncadd.s32 $0xFFFFFFFF  }
0x96: {  	s16 =	sld [smem:$0x11];
	(tm) =	ssettm $0x1  }
0x97: {  	s17 =	sld [smem:$0x3FFB];
	_ =	sdelay $0x3  }
0x98: {  	_ =	strace s17  }
0x99: {  	s3 =	sld [smem:$0x3FFC];
	_ =	sdelay $0x3  }
0x9a: {  	_ =	strace s3  }
0x9b: {  	s3 =	sld [smem:$0x3FFD];
	_ =	sdelay $0x3  }
0x9c: {  	_ =	strace s3  }
0x9d: {  	_ =	strace $0x8FFFFFFF  }
0x9e: {  	s18 =	sld [smem:$0x3FDB];
	_ =	sdelay $0x1  }
0x9f: {  	s19 =	simm.s32 $_scs_section_size  }
0xa0: {  	s5 =	simm.s32 $_size__tile_overlayer_lowered;
	s6 =	simm.s32 $_tile_overlayer_lowered  }
0xa1: {  	s22 =	simm.s32 $0x1BFF;
	s21 =	sshll.u32 s6, $0x1;
	s3 =	sadd.s32 s19, s18  }
0xa2: {  	s7 =	simm.s32 $0x0;
	s20 =	sshll.u32 s5, $0x1;
	s5 =	sadd.s32 s21, s3  }
0xa3: {  	[timem:s7], [sflag:s22] =	dma.local [hbm:s5], s20  }
0xa4: {  	_ =	swait.ge [sflag:s22], s20  }
0xa5: {  	s4 =	ssub.s32 $0x0, s20;
	[sflag:s22] =	ssyncset.done $0x0  }
0xa6: {  	[sflag:s22] =	ssyncadd.s32 s4;
	_ =	sdelay $0x1  }
0xa7: {  	s23 =	simm.s32 $0x1B8B  }
0xa8: {  	_ =	swait.ge [sflag:s23], $0x1  }
0xa9: {  	[sflag:s23] =	ssyncset.done $0x0  }
0xaa: {  	s25 =	simm.s32 $0x1B8E;
	s24 =	sld [smem:$0x3FFE];
	[sflag:s23] =	ssyncadd.s32 $0xFFFFFFFF  }
0xab: {  	s26 =	simm.s32 $execute0_lowered;
	[smem:$0x3FD2] =	sst s25  }
0xac: {  	s5 =	sshll.u32 s26, $0x1;
	_ =	strace $0x80000049;
	[dreg:$0x1] =	wrdreg $0xFFFFFFFF  }
0xad: {  	s28 =	simm.s32 $_size_execute0_lowered;
	s3 =	sadd.s32 s3, s5;
	[dreg:$0x0] =	wrdreg $0x0  }
0xae: {  	s5 =	sshll.u32 s28, $0x1;
	[dreg:$0x2] =	wrdreg s3  }
0xaf: {  	[dreg:$0x3] =	wrdreg s5  }
0xb0: {  	[dreg:$0x4] =	wrdreg $0xC0  }
0xb1: {  	_ =	task [dreg:s7], $0x5FFFF  }
0xb2: {  	[dreg:$0x1] =	wrdreg $0xFFFFFFFF  }
0xb3: {  	[dreg:$0x0] =	wrdreg $0x60  }
0xb4: {  	[dreg:$0x2] =	wrdreg s24  }
0xb5: {  	[dreg:$0x3] =	wrdreg s16  }
0xb6: {  	[dreg:$0x4] =	wrdreg $0xBB800  }
0xb7: {  	[dreg:$0x5] =	wrdreg $0x9  }
0xb8: {  	_ =	task.clear_ibuf [dreg:s7], $0x6FFFF;
	_ =	strace $0x90000049  }
0xb9: {  	s29 =	simm.s32 $0x9;
	_ =	strace $0x8000004B  }
0xba: {  	_ =	swait.ge [sflag:s29], $0x1  }
0xbb: {  	[sflag:s29] =	ssyncadd.s32 $0xFFFFFFFF  }
0xbc: {  	_ =	strace $0x9000004B  }
0xbd: {  	_ =	sfence  }
0xbe: {  	s30 =	sld [smem:$0x0];
	_ =	sdelay $0x2  }
0xbf: {  	s31 =	sshll.u32 s1, $0xD;
	s1 =	sshrl.u32 s1, $0x2  }
0xc0: {  	s3 =	sand.u32 $0x4000, s31;
	s1 =	sadd.s32 s1, s30  }
0xc1: {  	s0 =	sor.u32 s3, s0;
	s1 =	sshll.u32 s1, $0x11  }
0xc2: {  	s0 =	sor.u32 s1, s0  }
0xc3: {  	s0 =	sadd.s32 $0x8F2B, s0  }
0xc4: {  	[sflag:s0] =	ssyncadd.remote.s32 $0x1  }
0xc5: {  	_ =	sfence.sel $0xFFFF  }
0xc6: {  	[dreg:$0x0] =	wrdreg $0xFFFFFFFF;
	(pc) =	sbr.abs _section_cstart, $3  }
0xc7: {  	[dreg:$0x1] =	wrdreg $0xFFFFFFFF  }
0xc8: {  	_ =	task.clear_ibuf [dreg:s7], $0x2FFFF;
	_ =	strace $0x9FFFFFFF  }
0xc9: {  	(tm) =	ssettm $0x7FFFFFFF  }
tec
execute0_lowered:
.L_overlay_start_1:
0x0: {  	(tag) =	ssettag $0x1  }
0x1: {  	s0 =	srdreg.scid;
	s1 =	rddreg [dreg:$0x0]  }
0x2: {  	s4 =	stileid.u32;
	s6 =	rddreg [dreg:$0x1]  }
0x3: {  	s22 =	simm.s32 $0x5780;
	s23 =	simm.s32 $0x5;
	s25 =	simm.s32 $0x32  }
0x4: {  	s28 =	simm.s32 $0x7080;
	s30 =	simm.s32 $0x8980;
	s31 =	simm.s32 $0x1  }
0x5: {  	s24 =	simm.s32 $0x3;
	s0 =	sand.u32 $0x1, s0;
	s5 =	smul.u32 $0x2800, s4  }
0x6: {  	s26 =	simm.s32 $0x4;
	s7 =	smul.u32 $0x50000, s4;
	s2 =	sshll.u32 s0, $0x4  }
0x7: {  	s8 =	smul.u32 $0x28000, s0;
	s0 =	ssub.s32 $0x2, s0;
	s3 =	sor.u32 s4, s2  }
0x8: {  	s2 =	rddreg [dreg:$0x2];
	s4 =	sadd.s32 $0x21200, s1;
	s7 =	sshrl.u32 s7, $0x2  }
0x9: {  	s9 =	sshrl.u32 s0, $0x1;
	s18 =	smul.u32 $0x578, s3;
	s3 =	simm.s32 $0x0  }
0xa: {  	s8 =	sadd.s32 s5, s8;
	s5 =	sadd.s32 s7, s2;
	s0 =	ssub.s32 s0, s9  }
0xb: {  	[smem:$0x7FF] =	sst s3;
	s7 =	sadd.s32 $0x1900, s5;
	s29 =	sadd.s32 $0x3200, s5  }
0xc: {  	s9 =	sadd.s32 $0x6400, s5;
	s10 =	sadd.s32 $0x7D00, s5;
	s11 =	sadd.s32 $0x9600, s5  }
0xd: {  	s12 =	sadd.s32 $0xAF00, s5;
	s13 =	sadd.s32 $0xC800, s5;
	s14 =	sadd.s32 $0xE100, s5  }
0xe: {  	s15 =	sadd.s32 $0xFA00, s5;
	s16 =	sadd.s32 $0x11300, s5;
	s17 =	sadd.s32 $0x12C00, s5  }
0xf: {  	s21 =	smax.u32 s0, $0x1;
	s0 =	simm.s32 $0x2;
	_ =	strace $0x8000004A  }
0x10: {  	s19 =	sadd.s32 s18, s1;
	s1 =	sadd.s32 s8, s1;
	[dreg:$0x4] =	wrdreg s7  }
0x11: {  	[dreg:$0x5] =	wrdreg s29;
	s8 =	sadd.s32 $0x4B00, s5;
	s18 =	sadd.s32 s6, s18  }
0x12: {  	v0 =	vimm.f32 $0.0e+00;
	s19 =	sadd.s32 $0x16200, s19;
	s20 =	sadd.s32 $0x48400, s1;
	s1 =	simm.s32 $0xA280  }
.LBB2_1:
0x13: {  	s6 =	simm.s32 $0x70;
	s29 =	simm.s32 $0x3C0  }
.LBB2_2:
0x14: {  	p0 =	sne.s32 s29, $0x63C0;
	[tilespmem:s6+$0x5780] =	vst v0  }
0x15: {  	[tilespmem:s6+$0x5710] =	vst v0  }
0x16: {  	[tilespmem:s6+$0x5720] =	vst v0  }
.Ltmp0:
0x17: {  	[tilespmem:s6+$0x5730] =	vst v0;
	(pc) =	sbr.rel @p0 .LBB2_2-.Ltmp0, $4  }
0x18: {  	[tilespmem:s6+$0x5740] =	vst v0  }
0x19: {  	[tilespmem:s6+$0x5750] =	vst v0  }
0x1a: {  	[tilespmem:s6+$0x5760] =	vst v0  }
0x1b: {  	[tilespmem:s6+$0x5770] =	vst v0;
	s6 =	sshra.s32 s29, $0x2;
	s29 =	sadd.s32 $0x200, s29  }
0x1c: {  	[tilespmem:s6+$0x5780] =	vst v0  }
0x1d: {  	[tilespmem:s6+$0x5710] =	vst v0  }
0x1e: {  	[tilespmem:s6+$0x5720] =	vst v0  }
0x1f: {  	[tilespmem:s6+$0x5730] =	vst v0  }
0x20: {  	[tilespmem:s6+$0x5740] =	vst v0  }
0x21: {  	[tilespmem:s6+$0x5750] =	vst v0  }
0x22: {  	[tilespmem:s6+$0x5760] =	vst v0  }
0x23: {  	[tilespmem:s6+$0x5770] =	vst v0  }
0x24: {  	[spmem:s5] =	stream.linear.scatter [tilespmem:s22], [sflag:$0x5], $0x1900, $0x38;
	[tilespmem:$0x1FB80] =	vst v63  }
0x25: {  	_ =	swait.ge [sflag:s23], $0x1900  }
0x26: {  	[sflag:s23] =	ssyncset.done $0x0  }
0x27: {  	s7 =	rddreg [dreg:$0x4];
	[sflag:s23] =	ssyncadd.s32 $0xFFFFE700  }
0x28: {  	[spmem:s7] =	stream.linear.scatter [tilespmem:s22], [sflag:$0x5], $0x1900, $0x38;
	[tilespmem:$0x1FB80] =	vst v63  }
0x29: {  	_ =	swait.ge [sflag:s23], $0x1900  }
0x2a: {  	[sflag:s23] =	ssyncset.done $0x0  }
0x2b: {  	s7 =	rddreg [dreg:$0x5];
	[sflag:s23] =	ssyncadd.s32 $0xFFFFE700  }
0x2c: {  	[spmem:s7] =	stream.linear.scatter [tilespmem:s22], [sflag:$0x5], $0x1900, $0x38;
	[tilespmem:$0x1FB80] =	vst v63  }
0x2d: {  	_ =	swait.ge [sflag:s23], $0x1900  }
0x2e: {  	[sflag:s23] =	ssyncset.done $0x0  }
0x2f: {  	[sflag:s23] =	ssyncadd.s32 $0xFFFFE700  }
0x30: {  	[spmem:s8] =	stream.linear.scatter [tilespmem:s22], [sflag:$0x5], $0x1900, $0x38;
	[tilespmem:$0x1FB80] =	vst v63  }
0x31: {  	_ =	swait.ge [sflag:s23], $0x1900  }
0x32: {  	[sflag:s23] =	ssyncset.done $0x0  }
0x33: {  	[sflag:s23] =	ssyncadd.s32 $0xFFFFE700  }
0x34: {  	[spmem:s9] =	stream.linear.scatter [tilespmem:s22], [sflag:$0x5], $0x1900, $0x38;
	[tilespmem:$0x1FB80] =	vst v63  }
0x35: {  	_ =	swait.ge [sflag:s23], $0x1900  }
0x36: {  	[sflag:s23] =	ssyncset.done $0x0  }
0x37: {  	[sflag:s23] =	ssyncadd.s32 $0xFFFFE700  }
0x38: {  	[spmem:s10] =	stream.linear.scatter [tilespmem:s22], [sflag:$0x5], $0x1900, $0x38;
	[tilespmem:$0x1FB80] =	vst v63  }
0x39: {  	_ =	swait.ge [sflag:s23], $0x1900  }
0x3a: {  	[sflag:s23] =	ssyncset.done $0x0  }
0x3b: {  	[sflag:s23] =	ssyncadd.s32 $0xFFFFE700  }
0x3c: {  	[spmem:s11] =	stream.linear.scatter [tilespmem:s22], [sflag:$0x5], $0x1900, $0x38;
	[tilespmem:$0x1FB80] =	vst v63  }
0x3d: {  	_ =	swait.ge [sflag:s23], $0x1900  }
0x3e: {  	[sflag:s23] =	ssyncset.done $0x0  }
0x3f: {  	[sflag:s23] =	ssyncadd.s32 $0xFFFFE700  }
0x40: {  	[spmem:s12] =	stream.linear.scatter [tilespmem:s22], [sflag:$0x5], $0x1900, $0x38;
	[tilespmem:$0x1FB80] =	vst v63  }
0x41: {  	_ =	swait.ge [sflag:s23], $0x1900  }
0x42: {  	[sflag:s23] =	ssyncset.done $0x0  }
0x43: {  	[sflag:s23] =	ssyncadd.s32 $0xFFFFE700  }
0x44: {  	[spmem:s13] =	stream.linear.scatter [tilespmem:s22], [sflag:$0x5], $0x1900, $0x38;
	[tilespmem:$0x1FB80] =	vst v63  }
0x45: {  	_ =	swait.ge [sflag:s23], $0x1900  }
0x46: {  	[sflag:s23] =	ssyncset.done $0x0  }
0x47: {  	[sflag:s23] =	ssyncadd.s32 $0xFFFFE700  }
0x48: {  	[spmem:s14] =	stream.linear.scatter [tilespmem:s22], [sflag:$0x5], $0x1900, $0x38;
	[tilespmem:$0x1FB80] =	vst v63  }
0x49: {  	_ =	swait.ge [sflag:s23], $0x1900  }
0x4a: {  	[sflag:s23] =	ssyncset.done $0x0  }
0x4b: {  	[sflag:s23] =	ssyncadd.s32 $0xFFFFE700  }
0x4c: {  	[spmem:s15] =	stream.linear.scatter [tilespmem:s22], [sflag:$0x5], $0x1900, $0x38;
	[tilespmem:$0x1FB80] =	vst v63  }
0x4d: {  	_ =	swait.ge [sflag:s23], $0x1900  }
0x4e: {  	[sflag:s23] =	ssyncset.done $0x0  }
0x4f: {  	[sflag:s23] =	ssyncadd.s32 $0xFFFFE700  }
0x50: {  	[spmem:s16] =	stream.linear.scatter [tilespmem:s22], [sflag:$0x5], $0x1900, $0x38;
	[tilespmem:$0x1FB80] =	vst v63  }
0x51: {  	_ =	swait.ge [sflag:s23], $0x1900  }
0x52: {  	[sflag:s23] =	ssyncset.done $0x0  }
0x53: {  	[sflag:s23] =	ssyncadd.s32 $0xFFFFE700  }
0x54: {  	[spmem:s17] =	stream.linear.scatter [tilespmem:s22], [sflag:$0x5], $0x1400, $0x38;
	[tilespmem:$0x1FB80] =	vst v63  }
0x55: {  	_ =	swait.ge [sflag:s23], $0x1400  }
0x56: {  	[sflag:s23] =	ssyncset.done $0x0  }
0x57: {  	s6 =	simm.s32 $0x0;
	[sflag:s23] =	ssyncadd.s32 $0xFFFFEC00  }
0x58: {  	[tilespmem:s6], [sflag:$0x5] =	stream.linear.gather [hbm4b:s18+s6], $0x2BC0, $0x38;
	[tilespmem:$0x1FB80] =	vst v63  }
0x59: {  	_ =	swait.ge [sflag:s23], $0x2BC0  }
0x5a: {  	[sflag:s23] =	ssyncset.done $0x0  }
0x5b: {  	s7 =	simm.s32 $0x2BC0;
	[sflag:s23] =	ssyncadd.s32 $0xFFFFD440  }
0x5c: {  	[tilespmem:s7], [sflag:$0x5] =	stream.linear.gather [hbm4b:s19+s6], $0x2BC0, $0x38;
	[tilespmem:$0x1FB80] =	vst v63  }
0x5d: {  	_ =	swait.ge [sflag:s23], $0x2BC0  }
0x5e: {  	[sflag:s23] =	ssyncset.done $0x0  }
0x5f: {  	[sflag:s23] =	ssyncadd.s32 $0xFFFFD440  }
0x60: {  	[bflag:$0x0] =	sbarrier.arrive $0xFFFF  }
0x61: {  	[tilespmem:s22], [sflag:$0x1] =	stream.indirect.gather [hbm4b:s4+s25], $0x80, s6, s25, $0xb8;
	[tilespmem:$0x1FB80] =	vst v63  }
0x62: {  	s7 =	simm.s32 $0x38  }
0x63: {  	[tilespmem:s28], [sflag:$0x2] =	stream.indirect.gather [hbm4b:s4+s25], $0x80, s7, s25, $0xb8;
	[tilespmem:$0x1FB80] =	vst v63  }
0x64: {  	s7 =	simm.s32 $0x70  }
0x65: {  	[tilespmem:s30], [sflag:$0x3] =	stream.indirect.gather [hbm4b:s4+s25], $0x80, s7, s25, $0xb8;
	[tilespmem:$0x1FB80] =	vst v63  }
0x66: {  	_ =	swait.ge [sflag:s31], $0x1900  }
0x67: {  	[sflag:s31] =	ssyncset.done $0x0  }
0x68: {  	s7 =	simm.s32 $0xA8;
	[sflag:s31] =	ssyncadd.s32 $0xFFFFE700  }
0x69: {  	[tilespmem:s1], [sflag:$0x4] =	stream.indirect.gather [hbm4b:s4+s25], $0x80, s7, s25, $0xb8;
	[tilespmem:$0x1FB80] =	vst v63  }
0x6a: {  	s7 =	simm.s32 $0x2BC0  }
0x6b: {  	[spmem:s2] =	stream.indirect.scatter.add.f32 [tilespmem:s22], [sflag:$0x5], $0x80, s7, s25, $0xb8;
	[tilespmem:$0x1FB80] =	vst v63  }
0x6c: {  	_ =	swait.ge [sflag:s23], $0x1900  }
0x6d: {  	[sflag:s23] =	ssyncset.done $0x0  }
0x6e: {  	[sflag:s23] =	ssyncadd.s32 $0xFFFFE700  }
0x6f: {  	_ =	swait.ge [sflag:s0], $0x1900  }
0x70: {  	[sflag:s0] =	ssyncset.done $0x0  }
0x71: {  	s7 =	simm.s32 $0xE0;
	[sflag:s0] =	ssyncadd.s32 $0xFFFFE700  }
0x72: {  	[tilespmem:s22], [sflag:$0x1] =	stream.indirect.gather [hbm4b:s4+s25], $0x80, s7, s25, $0xb8;
	[tilespmem:$0x1FB80] =	vst v63  }
0x73: {  	s7 =	simm.s32 $0x2BF8  }
0x74: {  	[spmem:s2] =	stream.indirect.scatter.add.f32 [tilespmem:s28], [sflag:$0x5], $0x80, s7, s25, $0xb8;
	[tilespmem:$0x1FB80] =	vst v63  }
0x75: {  	_ =	swait.ge [sflag:s23], $0x1900  }
0x76: {  	[sflag:s23] =	ssyncset.done $0x0  }
0x77: {  	[sflag:s23] =	ssyncadd.s32 $0xFFFFE700  }
0x78: {  	_ =	swait.ge [sflag:s24], $0x1900  }
0x79: {  	[sflag:s24] =	ssyncset.done $0x0  }
0x7a: {  	s7 =	simm.s32 $0x118;
	[sflag:s24] =	ssyncadd.s32 $0xFFFFE700  }
0x7b: {  	[tilespmem:s28], [sflag:$0x2] =	stream.indirect.gather [hbm4b:s4+s25], $0x80, s7, s25, $0xb8;
	[tilespmem:$0x1FB80] =	vst v63  }
0x7c: {  	s7 =	simm.s32 $0x2C30  }
0x7d: {  	[spmem:s2] =	stream.indirect.scatter.add.f32 [tilespmem:s30], [sflag:$0x5], $0x80, s7, s25, $0xb8;
	[tilespmem:$0x1FB80] =	vst v63  }
0x7e: {  	_ =	swait.ge [sflag:s23], $0x1900  }
0x7f: {  	[sflag:s23] =	ssyncset.done $0x0  }
0x80: {  	[sflag:s23] =	ssyncadd.s32 $0xFFFFE700  }
0x81: {  	_ =	swait.ge [sflag:s26], $0x1900  }
0x82: {  	[sflag:s26] =	ssyncset.done $0x0  }
0x83: {  	s7 =	simm.s32 $0x150;
	[sflag:s26] =	ssyncadd.s32 $0xFFFFE700  }
0x84: {  	[tilespmem:s30], [sflag:$0x3] =	stream.indirect.gather [hbm4b:s4+s25], $0x80, s7, s25, $0xb8;
	[tilespmem:$0x1FB80] =	vst v63  }
0x85: {  	s7 =	simm.s32 $0x2C68  }
0x86: {  	[spmem:s2] =	stream.indirect.scatter.add.f32 [tilespmem:s1], [sflag:$0x5], $0x80, s7, s25, $0xb8;
	[tilespmem:$0x1FB80] =	vst v63  }
0x87: {  	_ =	swait.ge [sflag:s23], $0x1900  }
0x88: {  	s29 =	simm.s32 $0x380;
	[sflag:s23] =	ssyncset.done $0x0  }
.LBB2_4:
0x89: {  	p0 =	sne.s32 s29, $0xA800  }
0x8a: {  	[sflag:s23] =	ssyncadd.s32 $0xFFFFE700;
	s6 =	smov.u32 s29;
	s29 =	sadd.s32 $0x380, s29  }
0x8b: {  	_ = 	snop  }
0x8c: {  	_ =	swait.ge [sflag:s31], $0x1900  }
0x8d: {  	s6 =	sshra.s32 s6, $0x2;
	[sflag:s31] =	ssyncset.done $0x0  }
0x8e: {  	s7 =	sadd.s32 $0xA8, s6;
	[sflag:s31] =	ssyncadd.s32 $0xFFFFE700  }
0x8f: {  	[tilespmem:s1], [sflag:$0x4] =	stream.indirect.gather [hbm4b:s4+s25], $0x80, s7, s25, $0xb8;
	[tilespmem:$0x1FB80] =	vst v63  }
0x90: {  	s7 =	sadd.s32 $0x2BC0, s6  }
0x91: {  	[spmem:s2] =	stream.indirect.scatter.add.f32 [tilespmem:s22], [sflag:$0x5], $0x80, s7, s25, $0xb8;
	[tilespmem:$0x1FB80] =	vst v63  }
0x92: {  	_ =	swait.ge [sflag:s23], $0x1900  }
0x93: {  	[sflag:s23] =	ssyncset.done $0x0  }
0x94: {  	[sflag:s23] =	ssyncadd.s32 $0xFFFFE700  }
0x95: {  	_ =	swait.ge [sflag:s0], $0x1900  }
0x96: {  	[sflag:s0] =	ssyncset.done $0x0  }
0x97: {  	s7 =	sadd.s32 $0xE0, s6;
	[sflag:s0] =	ssyncadd.s32 $0xFFFFE700  }
0x98: {  	[tilespmem:s22], [sflag:$0x1] =	stream.indirect.gather [hbm4b:s4+s25], $0x80, s7, s25, $0xb8;
	[tilespmem:$0x1FB80] =	vst v63  }
0x99: {  	s7 =	sadd.s32 $0x2BF8, s6  }
0x9a: {  	[spmem:s2] =	stream.indirect.scatter.add.f32 [tilespmem:s28], [sflag:$0x5], $0x80, s7, s25, $0xb8;
	[tilespmem:$0x1FB80] =	vst v63  }
0x9b: {  	_ =	swait.ge [sflag:s23], $0x1900  }
0x9c: {  	[sflag:s23] =	ssyncset.done $0x0  }
0x9d: {  	[sflag:s23] =	ssyncadd.s32 $0xFFFFE700  }
0x9e: {  	_ =	swait.ge [sflag:s24], $0x1900  }
0x9f: {  	[sflag:s24] =	ssyncset.done $0x0  }
0xa0: {  	s7 =	sadd.s32 $0x118, s6;
	[sflag:s24] =	ssyncadd.s32 $0xFFFFE700  }
0xa1: {  	[tilespmem:s28], [sflag:$0x2] =	stream.indirect.gather [hbm4b:s4+s25], $0x80, s7, s25, $0xb8;
	[tilespmem:$0x1FB80] =	vst v63  }
0xa2: {  	s7 =	sadd.s32 $0x2C30, s6  }
0xa3: {  	[spmem:s2] =	stream.indirect.scatter.add.f32 [tilespmem:s30], [sflag:$0x5], $0x80, s7, s25, $0xb8;
	[tilespmem:$0x1FB80] =	vst v63  }
0xa4: {  	_ =	swait.ge [sflag:s23], $0x1900  }
0xa5: {  	[sflag:s23] =	ssyncset.done $0x0  }
0xa6: {  	[sflag:s23] =	ssyncadd.s32 $0xFFFFE700  }
0xa7: {  	_ =	swait.ge [sflag:s26], $0x1900  }
0xa8: {  	[sflag:s26] =	ssyncset.done $0x0  }
0xa9: {  	s7 =	sadd.s32 $0x150, s6;
	[sflag:s26] =	ssyncadd.s32 $0xFFFFE700  }
0xaa: {  	[tilespmem:s30], [sflag:$0x3] =	stream.indirect.gather [hbm4b:s4+s25], $0x80, s7, s25, $0xb8;
	[tilespmem:$0x1FB80] =	vst v63  }
.Ltmp1:
0xab: {  	_ = 	snop;
	(pc) =	sbr.rel @p0 .LBB2_4-.Ltmp1, $4  }
0xac: {  	s6 =	sadd.s32 $0x2C68, s6  }
0xad: {  	[spmem:s2] =	stream.indirect.scatter.add.f32 [tilespmem:s1], [sflag:$0x5], $0x80, s6, s25, $0xb8;
	[tilespmem:$0x1FB80] =	vst v63  }
0xae: {  	_ =	swait.ge [sflag:s23], $0x1900  }
0xaf: {  	[sflag:s23] =	ssyncset.done $0x0  }
0xb0: {  	[sflag:s23] =	ssyncadd.s32 $0xFFFFE700  }
0xb1: {  	_ =	swait.ge [sflag:s31], $0x1900  }
0xb2: {  	[sflag:s31] =	ssyncset.done $0x0  }
0xb3: {  	s6 =	simm.s32 $0x2B88;
	[sflag:s31] =	ssyncadd.s32 $0xFFFFE700  }
0xb4: {  	[tilespmem:s1], [sflag:$0x4] =	stream.indirect.gather [hbm4b:s4+s25], $0x80, s6, s25, $0xb8;
	[tilespmem:$0x1FB80] =	vst v63  }
0xb5: {  	s29 =	simm.s32 $0x56A0  }
0xb6: {  	[spmem:s2] =	stream.indirect.scatter.add.f32 [tilespmem:s22], [sflag:$0x5], $0x80, s29, s25, $0xb8;
	[tilespmem:$0x1FB80] =	vst v63  }
0xb7: {  	_ =	swait.ge [sflag:s23], $0x1900  }
0xb8: {  	[sflag:s23] =	ssyncset.done $0x0  }
0xb9: {  	[sflag:s23] =	ssyncadd.s32 $0xFFFFE700  }
0xba: {  	_ =	swait.ge [sflag:s0], $0x1900  }
0xbb: {  	[sflag:s0] =	ssyncset.done $0x0  }
0xbc: {  	s7 =	simm.s32 $0x56D8;
	[sflag:s0] =	ssyncadd.s32 $0xFFFFE700  }
0xbd: {  	[spmem:s2] =	stream.indirect.scatter.add.f32 [tilespmem:s28], [sflag:$0x5], $0x80, s7, s25, $0xb8;
	[tilespmem:$0x1FB80] =	vst v63  }
0xbe: {  	_ =	swait.ge [sflag:s23], $0x1900  }
0xbf: {  	[sflag:s23] =	ssyncset.done $0x0  }
0xc0: {  	[sflag:s23] =	ssyncadd.s32 $0xFFFFE700  }
0xc1: {  	_ =	swait.ge [sflag:s24], $0x1900  }
0xc2: {  	[sflag:s24] =	ssyncset.done $0x0  }
0xc3: {  	s29 =	simm.s32 $0x5710;
	[sflag:s24] =	ssyncadd.s32 $0xFFFFE700  }
0xc4: {  	[spmem:s2] =	stream.indirect.scatter.add.f32 [tilespmem:s30], [sflag:$0x5], $0x80, s29, s25, $0xb8;
	[tilespmem:$0x1FB80] =	vst v63  }
0xc5: {  	_ =	swait.ge [sflag:s23], $0x1900  }
0xc6: {  	[sflag:s23] =	ssyncset.done $0x0  }
0xc7: {  	[sflag:s23] =	ssyncadd.s32 $0xFFFFE700  }
0xc8: {  	_ =	swait.ge [sflag:s26], $0x1900  }
0xc9: {  	[sflag:s26] =	ssyncset.done $0x0  }
0xca: {  	s7 =	simm.s32 $0x5748;
	[sflag:s26] =	ssyncadd.s32 $0xFFFFE700  }
0xcb: {  	[spmem:s2] =	stream.indirect.scatter.add.f32 [tilespmem:s1], [sflag:$0x5], $0x80, s7, s25, $0xb8;
	[tilespmem:$0x1FB80] =	vst v63  }
0xcc: {  	s29 =	stileid.u32;
	_ =	swait.ge [sflag:s23], $0x1900  }
0xcd: {  	s3 =	sadd.s32 $0x1, s3;
	s6 =	sshll.u32 s29, $0x6;
	[sflag:s23] =	ssyncset.done $0x0  }
0xce: {  	p0 =	sne.s32 s3, s21;
	s6 =	sor.u32 $0x1C05, s6;
	[sflag:s23] =	ssyncadd.s32 $0xFFFFE700  }
.Ltmp2:
0xcf: {  	s7 =	sshrl.u32 s5, $0x3;
	[bflag:$0x0] =	sbarrier.arrive $0xFFFF;
	(pc) =	sbr.rel @p0 .LBB2_1-.Ltmp2, $4  }
0xd0: {  	[hbm:s20], [sflag:s6] =	dma.local [spmem:s7], $0x2800  }
0xd1: {  	_ =	swait.ge [sflag:s23], $0x2800  }
0xd2: {  	[sflag:s23] =	ssyncset.done $0x0  }
0xd3: {  	[sflag:s23] =	ssyncadd.s32 $0xFFFFD800  }
0xd4: {  	_ =	sfence.sel $0x180000  }
0xd5: {  	[bflag:$0x0] =	sbarrier.arrive $0xFFFF  }
0xd6: {  	_ =	strace $0x9000004A  }
0xd7: {  	s0 =	stileid.u32;
	[bflag:$0x2] =	sbarrier.arrive $0xFFFF  }
0xd8: {  	p0 =	sne.s32 s0, $0x0;
	s0 =	rddreg [dreg:$0x3]  }
0xd9: {  	s0 =	sadd.s32 @!p0 $0x100000, s0  }
0xda: {  	[sflag:s0] =	ssyncadd.tile.s32 @!p0 $0x1;
	_ =	shalt  }
.Lfunc_end2:
_tile_overlayer_lowered:
.L_overlay_start_2:
0xdb: {  	(tag) =	ssettag $0x2  }
0xdc: {  	s0 =	rddreg [dreg:$0x0];
	s2 =	stileid.u32  }
0xdd: {  	s1 =	rddreg [dreg:$0x1];
	p0 =	sne.s32 s2, $0x0  }
0xde: {  	s3 =	rddreg [dreg:$0x2];
	[bflag:$0x3] =	sbarrier.arrive $0xFFFF;
	s2 =	simm.s32 @!p0 $0x1C05  }
0xdf: {  	[timem:s3], [sflag:s2] =	dma.local @!p0 [hbm:s0], s1  }
0xe0: {  	s0 =	simm.s32 @!p0 $0x5  }
0xe1: {  	_ =	swait.ge @!p0 [sflag:s0], s1  }
0xe2: {  	s1 =	ssub.s32 @!p0 $0x0, s1;
	[sflag:s0] =	ssyncset.done @!p0 $0x0  }
0xe3: {  	[sflag:s0] =	ssyncadd.s32 @!p0 s1  }
0xe4: {  	[bflag:$0x3] =	sbarrier.arrive $0xFFFF  }
0xe5: {  	_ =	shalt  }

// kernel: kernel.14.cloned.1.call-start
scs
__scs_entry_jumppad:
0x0: {  	(pc) =	sbr.rel $0x88, $3  }
0x1: {  	(tag) =	ssettag $0x0;
	lr =	simm.s32 $0x1  }
0x2: {  	[smem:$0x3F9A] =	sst lr;
	_ =	strace $0xD0000000  }
0x3: {  	_ = 	snop  }
0x4: {  	_ = 	snop  }
0x5: {  	_ = 	snop  }
0x6: {  	_ = 	snop  }
0x7: {  	_ = 	snop  }
__scs_overlays_trampoline_lowered:
0x8: {  	[smem:$0x3FA9] =	sst s0  }
0x9: {  	[smem:$0x3FAA] =	sst s1  }
0xa: {  	[smem:$0x3FAB] =	sst s2  }
0xb: {  	[smem:$0x3FAC] =	sst s3  }
0xc: {  	[smem:$0x3FAD] =	sst s4  }
0xd: {  	[smem:$0x3FAE] =	sst s5  }
0xe: {  	[smem:$0x3FAF] =	sst s6  }
0xf: {  	[smem:$0x3FB0] =	sst s7  }
0x10: {  	[smem:$0x3FB1] =	sst s8  }
0x11: {  	[smem:$0x3FB2] =	sst s9;
	s0 =	simm.s32 @!p0 $0x0  }
0x12: {  	s1 =	sld [smem:$0x3F98];
	s0 =	simm.s32 @p0 $0x1  }
0x13: {  	[smem:$0x3FB3] =	sst s0;
	s0 =	simm.s32 @!p1 $0x0  }
0x14: {  	s2 =	sld [smem:$0x3F97];
	s0 =	simm.s32 @p1 $0x1  }
0x15: {  	[smem:$0x3FB4] =	sst s0;
	s0 =	simm.s32 @!p2 $0x0  }
0x16: {  	s3 =	sld [smem:$0x3FDB];
	s0 =	simm.s32 @p2 $0x1  }
0x17: {  	s4 =	simm.s32 $0x1BF5;
	[smem:$0x3FB6] =	sst s0  }
0x18: {  	s0 =	sld [smem:$0x3F99];
	_ =	swait.ge [sflag:s4], $0x0  }
0x19: {  	s7 =	sld [smem:$0x3F9A]  }
0x1a: {  	s8 =	sadd.s32 $0xFFFFE003, lr  }
0x1b: {  	s9 =	sadd.s32 $0xFFFFFEF7, lr;
	s5 =	simm.s32 $0xFFFFFFFF;
	p2 =	slt.u32 s8, $0xFFFFF086  }
0x1c: {  	p1 =	slt.u32 s9, $0xF7A;
	s5 =	simm.s32 @!p2 $0x0  }
0x1d: {  	s5 =	simm.s32 @p1 $0x1;
	p0 =	seq.s32 s7, s2  }
0x1e: {  	s7 =	smul.u32 @!p0 $0xF7A, s2;
	p2 =	seq.s32 @!p0 s5, $0x0  }
0x1f: {  	s9 =	smul.u32 $0xF7A, s1;
	s8 =	simm.s32 @!p0 $0x1BF5;
	p2 =	por !p2, p0  }
0x20: {  	[sflag:s8] =	ssyncset.s32 @!p0 $0xFFFFF086;
	s6 =	sadd.s32 @!p0 s3, s7;
	s7 =	simm.s32 @!p0 $0x108  }
0x21: {  	s3 =	sadd.s32 s3, s9;
	s6 =	sadd.s32 @!p0 $0x88, s6;
	s7 =	simm.s32 @p2 $0x1082  }
0x22: {  	[simem:s7], [sflag:s8] =	dma.local @!p0 [hbm:s6], $0xF7A  }
0x23: {  	s9 =	sor.u32 $0xD0000000, s2;
	s6 =	simm.s32 $0x108;
	_ =	swait.ge @!p0 [sflag:s8], $0x0  }
0x24: {  	s3 =	sadd.s32 $0x88, s3;
	s6 =	simm.s32 @!p1 $0x1082;
	[sflag:s4] =	ssyncset.s32 $0xFFFFF086  }
0x25: {  	[simem:s6], [sflag:s4] =	dma.local [hbm:s3], $0xF7A  }
0x26: {  	[smem:$0x3F9A] =	sst s1;
	(tag) =	ssettag s2;
	_ =	strace s9  }
0x27: {  	s1 =	sld [smem:$0x3FAA]  }
0x28: {  	s2 =	sld [smem:$0x3FAB]  }
0x29: {  	s4 =	sld [smem:$0x3FAD]  }
0x2a: {  	p0 =	seq.s32 s5, $0x0;
	s5 =	sld [smem:$0x3FAE]  }
0x2b: {  	s6 =	sld [smem:$0x3FAF]  }
0x2c: {  	s7 =	sld [smem:$0x3FB0]  }
0x2d: {  	s3 =	simm.s32 $0x108;
	s8 =	sld [smem:$0x3FB1]  }
0x2e: {  	s3 =	simm.s32 @!p0 $0x1082;
	s9 =	sld [smem:$0x3FB2]  }
0x2f: {  	lr =	sadd.s32 s0, s3;
	s0 =	sld [smem:$0x3FA9]  }
0x30: {  	s3 =	sld [smem:$0x3FAC]  }
0x31: {  	[smem:$0x3FB5] =	sst s10  }
0x32: {  	s10 =	sld [smem:$0x3FB3];
	_ =	sdelay $0x3  }
0x33: {  	p0 =	seq.s32 s10, $0x1;
	s10 =	sld [smem:$0x3FB5];
	_ =	sdelay $0x3  }
0x34: {  	[smem:$0x3FB5] =	sst s10  }
0x35: {  	s10 =	sld [smem:$0x3FB4];
	_ =	sdelay $0x3  }
0x36: {  	p1 =	seq.s32 s10, $0x1;
	s10 =	sld [smem:$0x3FB5];
	_ =	sdelay $0x3  }
0x37: {  	[smem:$0x3FB5] =	sst s10  }
0x38: {  	s10 =	sld [smem:$0x3FB6]  }
0x39: {  	_ = 	snop;
	(pc) =	sbr.ind lr, $3  }
0x3a: {  	_ = 	snop  }
0x3b: {  	_ = 	snop  }
0x3c: {  	p2 =	seq.s32 s10, $0x1;
	s10 =	sld [smem:$0x3FB5]  }
0x3d: {  	_ =	shalt  }
0x3e: {  	_ =	shalt  }
0x3f: {  	_ =	shalt  }
0x40: {  	_ =	shalt  }
0x41: {  	_ =	shalt  }
0x42: {  	_ =	shalt  }
0x43: {  	_ =	shalt  }
0x44: {  	_ =	shalt  }
0x45: {  	_ =	shalt  }
0x46: {  	_ =	shalt  }
0x47: {  	_ =	shalt  }
0x48: {  	_ =	shalt  }
0x49: {  	_ =	shalt  }
0x4a: {  	_ =	shalt  }
0x4b: {  	_ =	shalt  }
0x4c: {  	_ =	shalt  }
0x4d: {  	_ =	shalt  }
0x4e: {  	_ =	shalt  }
0x4f: {  	_ =	shalt  }
0x50: {  	_ =	shalt  }
0x51: {  	_ =	shalt  }
0x52: {  	_ =	shalt  }
0x53: {  	_ =	shalt  }
0x54: {  	_ =	shalt  }
0x55: {  	_ =	shalt  }
0x56: {  	_ =	shalt  }
0x57: {  	_ =	shalt  }
0x58: {  	_ =	shalt  }
0x59: {  	_ =	shalt  }
0x5a: {  	_ =	shalt  }
0x5b: {  	_ =	shalt  }
0x5c: {  	_ =	shalt  }
0x5d: {  	_ =	shalt  }
0x5e: {  	_ =	shalt  }
0x5f: {  	_ =	shalt  }
0x60: {  	_ =	shalt  }
0x61: {  	_ =	shalt  }
0x62: {  	_ =	shalt  }
0x63: {  	_ =	shalt  }
0x64: {  	_ =	shalt  }
0x65: {  	_ =	shalt  }
0x66: {  	_ =	shalt  }
0x67: {  	_ =	shalt  }
0x68: {  	_ =	shalt  }
0x69: {  	_ =	shalt  }
0x6a: {  	_ =	shalt  }
0x6b: {  	_ =	shalt  }
0x6c: {  	_ =	shalt  }
0x6d: {  	_ =	shalt  }
0x6e: {  	_ =	shalt  }
0x6f: {  	_ =	shalt  }
0x70: {  	_ =	shalt  }
0x71: {  	_ =	shalt  }
0x72: {  	_ =	shalt  }
0x73: {  	_ =	shalt  }
0x74: {  	_ =	shalt  }
0x75: {  	_ =	shalt  }
0x76: {  	_ =	shalt  }
0x77: {  	_ =	shalt  }
0x78: {  	_ =	shalt  }
0x79: {  	_ =	shalt  }
0x7a: {  	_ =	shalt  }
0x7b: {  	_ =	shalt  }
0x7c: {  	_ =	shalt  }
0x7d: {  	_ =	shalt  }
0x7e: {  	_ =	shalt  }
0x7f: {  	_ =	shalt  }
0x80: {  	_ =	shalt  }
0x81: {  	_ =	shalt  }
0x82: {  	_ =	shalt  }
0x83: {  	_ =	shalt  }
0x84: {  	_ =	shalt  }
0x85: {  	_ =	shalt  }
0x86: {  	_ =	shalt  }
0x87: {  	_ =	shalt  }
.Lfunc_end0:
.L_simem_size_0:
called_computation.2_lowered:
.L_overlay_start_0:
0x88: {  	s2 =	sld [smem:$0x3FD9]  }
0x89: {  	s3 =	sld [smem:$0x3FFE];
	_ =	sdelay $0x1  }
0x8a: {  	s1 =	srdreg.scid  }
0x8b: {  	s0 =	sand.u32 $0x1, s1  }
0x8c: {  	s14 =	sshll.u32 s0, $0xA;
	s2 =	sadd.s32 s3, s2  }
0x8d: {  	s2 =	sadd.s32 s2, s14  }
0x8e: {  	[smem:$0x3FC1] =	sst s2  }
0x8f: {  	_ = 	snop  }
0x90: {  	s2 =	sld [smem:$0x3FD0];
	_ =	sdelay $0x2  }
0x91: {  	s15 =	simm.s32 $0xA;
	s4 =	simm.s32 $0x10  }
0x92: {  	[smem:s4], [sflag:s15] =	dma.local [hbm:s2], $0x1  }
0x93: {  	_ =	swait.eq [sflag:s15], $0x1  }
0x94: {  	[sflag:s15] =	ssyncset.done $0x0  }
0x95: {  	[sflag:s15] =	ssyncadd.s32 $0xFFFFFFFF  }
0x96: {  	s16 =	sld [smem:$0x11];
	(tm) =	ssettm $0x1  }
0x97: {  	s17 =	sld [smem:$0x3FFB];
	_ =	sdelay $0x3  }
0x98: {  	_ =	strace s17  }
0x99: {  	s3 =	sld [smem:$0x3FFC];
	_ =	sdelay $0x3  }
0x9a: {  	_ =	strace s3  }
0x9b: {  	s3 =	sld [smem:$0x3FFD];
	_ =	sdelay $0x3  }
0x9c: {  	_ =	strace s3  }
0x9d: {  	_ =	strace $0x8FFFFFFF  }
0x9e: {  	s18 =	sld [smem:$0x3FDB];
	_ =	sdelay $0x1  }
0x9f: {  	s19 =	simm.s32 $_scs_section_size  }
0xa0: {  	s5 =	simm.s32 $_size__tile_overlayer_lowered;
	s6 =	simm.s32 $_tile_overlayer_lowered  }
0xa1: {  	s22 =	simm.s32 $0x1BFF;
	s21 =	sshll.u32 s6, $0x1;
	s3 =	sadd.s32 s19, s18  }
0xa2: {  	s7 =	simm.s32 $0x0;
	s20 =	sshll.u32 s5, $0x1;
	s5 =	sadd.s32 s21, s3  }
0xa3: {  	[timem:s7], [sflag:s22] =	dma.local [hbm:s5], s20  }
0xa4: {  	_ =	swait.ge [sflag:s22], s20  }
0xa5: {  	s4 =	ssub.s32 $0x0, s20;
	[sflag:s22] =	ssyncset.done $0x0  }
0xa6: {  	[sflag:s22] =	ssyncadd.s32 s4;
	_ =	sdelay $0x1  }
0xa7: {  	s23 =	simm.s32 $0x1B8B  }
0xa8: {  	_ =	swait.ge [sflag:s23], $0x1  }
0xa9: {  	[sflag:s23] =	ssyncset.done $0x0  }
0xaa: {  	s25 =	simm.s32 $0x1B8E;
	s24 =	sld [smem:$0x3FFE];
	[sflag:s23] =	ssyncadd.s32 $0xFFFFFFFF  }
0xab: {  	s26 =	simm.s32 $execute0_lowered;
	[smem:$0x3FD2] =	sst s25  }
0xac: {  	s5 =	sshll.u32 s26, $0x1;
	_ =	strace $0x8000004C;
	[dreg:$0x1] =	wrdreg $0xFFFFFFFF  }
0xad: {  	s28 =	simm.s32 $_size_execute0_lowered;
	s3 =	sadd.s32 s3, s5;
	[dreg:$0x0] =	wrdreg $0x0  }
0xae: {  	s5 =	sshll.u32 s28, $0x1;
	[dreg:$0x2] =	wrdreg s3  }
0xaf: {  	[dreg:$0x3] =	wrdreg s5  }
0xb0: {  	[dreg:$0x4] =	wrdreg $0xC0  }
0xb1: {  	_ =	task [dreg:s7], $0x5FFFF  }
0xb2: {  	[dreg:$0x1] =	wrdreg $0xFFFFFFFF  }
0xb3: {  	[dreg:$0x0] =	wrdreg $0x60  }
0xb4: {  	[dreg:$0x2] =	wrdreg s16  }
0xb5: {  	[dreg:$0x3] =	wrdreg s24  }
0xb6: {  	[dreg:$0x4] =	wrdreg $0x151800  }
0xb7: {  	[dreg:$0x5] =	wrdreg $0xB5400  }
0xb8: {  	[dreg:$0x6] =	wrdreg $0x9  }
0xb9: {  	_ =	task.clear_ibuf [dreg:s7], $0x7FFFF;
	_ =	strace $0x9000004C  }
0xba: {  	s29 =	simm.s32 $0x9;
	_ =	strace $0x8000004E  }
0xbb: {  	_ =	swait.ge [sflag:s29], $0x1  }
0xbc: {  	[sflag:s29] =	ssyncadd.s32 $0xFFFFFFFF  }
0xbd: {  	_ =	strace $0x9000004E  }
0xbe: {  	_ =	sfence  }
0xbf: {  	s30 =	sld [smem:$0x0];
	_ =	sdelay $0x2  }
0xc0: {  	s31 =	sshll.u32 s1, $0xD;
	s1 =	sshrl.u32 s1, $0x2  }
0xc1: {  	s3 =	sand.u32 $0x4000, s31;
	s1 =	sadd.s32 s1, s30  }
0xc2: {  	s0 =	sor.u32 s3, s0;
	s1 =	sshll.u32 s1, $0x11  }
0xc3: {  	s0 =	sor.u32 s1, s0  }
0xc4: {  	s0 =	sadd.s32 $0x8F2B, s0  }
0xc5: {  	[sflag:s0] =	ssyncadd.remote.s32 $0x1  }
0xc6: {  	_ =	sfence.sel $0xFFFF  }
0xc7: {  	[dreg:$0x0] =	wrdreg $0xFFFFFFFF;
	(pc) =	sbr.abs _section_cstart, $3  }
0xc8: {  	[dreg:$0x1] =	wrdreg $0xFFFFFFFF  }
0xc9: {  	_ =	task.clear_ibuf [dreg:s7], $0x2FFFF;
	_ =	strace $0x9FFFFFFF  }
0xca: {  	(tm) =	ssettm $0x7FFFFFFF  }
0xcb: {  	_ =	shalt  }
tec
execute0_lowered:
.L_overlay_start_1:
0x0: {  	(tag) =	ssettag $0x1  }
0x1: {  	s0 =	srdreg.scid;
	s1 =	rddreg [dreg:$0x0]  }
0x2: {  	s19 =	stileid.u32;
	s5 =	rddreg [dreg:$0x1]  }
0x3: {  	s4 =	simm.s32 $0x0;
	s17 =	simm.s32 $0x5140;
	s18 =	simm.s32 $0x5  }
0x4: {  	s22 =	simm.s32 $0x64;
	s28 =	simm.s32 $0x1;
	s29 =	simm.s32 $0x9C40  }
0x5: {  	s30 =	simm.s32 $0x2;
	s31 =	simm.s32 $0x3;
	s7 =	smul.u32 $0x1400, s19  }
0x6: {  	s0 =	sand.u32 $0x1, s0;
	[smem:$0x7FF] =	sst s4;
	s9 =	smul.u32 $0x28000, s19  }
0x7: {  	s12 =	smul.u32 $0x9C40, s19;
	s26 =	sshll.u32 s19, $0x6;
	s2 =	sshll.u32 s0, $0x4  }
0x8: {  	s8 =	smul.u32 $0x14000, s0;
	s0 =	ssub.s32 $0x2, s0;
	s3 =	sor.u32 s19, s2  }
0x9: {  	s2 =	rddreg [dreg:$0x2];
	s24 =	sshrl.u32 s9, $0x2;
	s25 =	sshrl.u32 s0, $0x1  }
0xa: {  	s13 =	sshrl.u32 s12, $0x3;
	s19 =	sor.u32 $0x1C05, s26;
	s26 =	simm.s32 $0x8340  }
0xb: {  	s6 =	smul.u32 $0x514, s3;
	s3 =	rddreg [dreg:$0x3];
	s23 =	sadd.s32 s7, s8  }
0xc: {  	_ =	strace $0x8000004D;
	s0 =	ssub.s32 s0, s25;
	s15 =	sadd.s32 s23, s5  }
0xd: {  	s20 =	sadd.s32 s12, s3;
	s12 =	sadd.s32 s1, s13;
	s16 =	smax.u32 s0, $0x1  }
0xe: {  	s1 =	simm.s32 $0x4;
	s0 =	simm.s32 $0x50D8;
	s14 =	sadd.s32 s6, s5  }
0xf: {  	s5 =	sadd.s32 s24, s2;
	s15 =	sadd.s32 $0xCA00, s15;
	s20 =	sshrl.u32 s20, $0x3  }
0x10: {  	s24 =	simm.s32 $0x6A40;
	s6 =	sadd.s32 $0x1900, s5;
	s7 =	sadd.s32 $0x3200, s5  }
0x11: {  	s8 =	sadd.s32 $0x4B00, s5;
	s9 =	sadd.s32 $0x6400, s5;
	s10 =	sadd.s32 $0x7D00, s5  }
0x12: {  	v0 =	vimm.f32 $0.0e+00;
	s11 =	sadd.s32 $0x9600, s5;
	s13 =	sadd.s32 $0x98400, s14;
	s14 =	sadd.s32 $0x2600, s14  }
.LBB2_1:
0x13: {  	s23 =	simm.s32 $0x100;
	s21 =	simm.s32 $0x0  }
.LBB2_2:
0x14: {  	p0 =	sne.s32 s23, $0x6300;
	[tilespmem:s21+$0x5170] =	vst v0;
	s25 =	smov.u32 s23;
	s23 =	sadd.s32 $0x100, s23  }
.Ltmp0:
0x15: {  	[tilespmem:s21+$0x5160] =	vst v0;
	(pc) =	sbr.rel @p0 .LBB2_2-.Ltmp0, $3  }
0x16: {  	[tilespmem:s21+$0x5140] =	vst v0  }
0x17: {  	[tilespmem:s21+$0x5150] =	vst v0;
	_ =	sdelay $0x1  }
0x18: {  	s21 =	sshra.s32 s25, $0x2  }
0x19: {  	[tilespmem:s21+$0x5170] =	vst v0  }
0x1a: {  	[tilespmem:s21+$0x5160] =	vst v0  }
0x1b: {  	[tilespmem:s21+$0x5140] =	vst v0  }
0x1c: {  	[tilespmem:s21+$0x5150] =	vst v0  }
0x1d: {  	[spmem:s5] =	stream.linear.scatter [tilespmem:s17], [sflag:$0x5], $0x1900, $0x38;
	[tilespmem:$0x1F180] =	vst v63  }
0x1e: {  	_ =	swait.ge [sflag:s18], $0x1900  }
0x1f: {  	[sflag:s18] =	ssyncset.done $0x0  }
0x20: {  	[sflag:s18] =	ssyncadd.s32 $0xFFFFE700  }
0x21: {  	[spmem:s6] =	stream.linear.scatter [tilespmem:s17], [sflag:$0x5], $0x1900, $0x38;
	[tilespmem:$0x1F180] =	vst v63  }
0x22: {  	_ =	swait.ge [sflag:s18], $0x1900  }
0x23: {  	[sflag:s18] =	ssyncset.done $0x0  }
0x24: {  	[sflag:s18] =	ssyncadd.s32 $0xFFFFE700  }
0x25: {  	[spmem:s7] =	stream.linear.scatter [tilespmem:s17], [sflag:$0x5], $0x1900, $0x38;
	[tilespmem:$0x1F180] =	vst v63  }
0x26: {  	_ =	swait.ge [sflag:s18], $0x1900  }
0x27: {  	[sflag:s18] =	ssyncset.done $0x0  }
0x28: {  	[sflag:s18] =	ssyncadd.s32 $0xFFFFE700  }
0x29: {  	[spmem:s8] =	stream.linear.scatter [tilespmem:s17], [sflag:$0x5], $0x1900, $0x38;
	[tilespmem:$0x1F180] =	vst v63  }
0x2a: {  	_ =	swait.ge [sflag:s18], $0x1900  }
0x2b: {  	[sflag:s18] =	ssyncset.done $0x0  }
0x2c: {  	[sflag:s18] =	ssyncadd.s32 $0xFFFFE700  }
0x2d: {  	[spmem:s9] =	stream.linear.scatter [tilespmem:s17], [sflag:$0x5], $0x1900, $0x38;
	[tilespmem:$0x1F180] =	vst v63  }
0x2e: {  	_ =	swait.ge [sflag:s18], $0x1900  }
0x2f: {  	[sflag:s18] =	ssyncset.done $0x0  }
0x30: {  	[sflag:s18] =	ssyncadd.s32 $0xFFFFE700  }
0x31: {  	[spmem:s10] =	stream.linear.scatter [tilespmem:s17], [sflag:$0x5], $0x1900, $0x38;
	[tilespmem:$0x1F180] =	vst v63  }
0x32: {  	_ =	swait.ge [sflag:s18], $0x1900  }
0x33: {  	[sflag:s18] =	ssyncset.done $0x0  }
0x34: {  	[sflag:s18] =	ssyncadd.s32 $0xFFFFE700  }
0x35: {  	[spmem:s11] =	stream.linear.scatter [tilespmem:s17], [sflag:$0x5], $0xA00, $0x38;
	[tilespmem:$0x1F180] =	vst v63  }
0x36: {  	_ =	swait.ge [sflag:s18], $0xA00  }
0x37: {  	[sflag:s18] =	ssyncset.done $0x0  }
0x38: {  	[sflag:s18] =	ssyncadd.s32 $0xFFFFF600  }
0x39: {  	[spmem:s20], [sflag:s19] =	dma.local [hbm:s12], $0x1388  }
0x3a: {  	_ =	swait.ge [sflag:s18], $0x1388  }
0x3b: {  	[sflag:s18] =	ssyncset.done $0x0  }
0x3c: {  	s25 =	simm.s32 $0x0;
	[sflag:s18] =	ssyncadd.s32 $0xFFFFEC78  }
0x3d: {  	[tilespmem:s25], [sflag:$0x5] =	stream.linear.gather [hbm4b:s13+s25], $0x28A0, $0x38;
	[tilespmem:$0x1F180] =	vst v63  }
0x3e: {  	_ =	swait.ge [sflag:s18], $0x28A0  }
0x3f: {  	[sflag:s18] =	ssyncset.done $0x0  }
0x40: {  	s23 =	simm.s32 $0x28A0;
	[sflag:s18] =	ssyncadd.s32 $0xFFFFD760  }
0x41: {  	[tilespmem:s23], [sflag:$0x5] =	stream.linear.gather [hbm4b:s14+s25], $0x28A0, $0x38;
	[tilespmem:$0x1F180] =	vst v63  }
0x42: {  	_ =	swait.ge [sflag:s18], $0x28A0  }
0x43: {  	[sflag:s18] =	ssyncset.done $0x0  }
0x44: {  	[sflag:s18] =	ssyncadd.s32 $0xFFFFD760  }
0x45: {  	[bflag:$0x0] =	sbarrier.arrive $0xFFFF  }
0x46: {  	[tilespmem:s17], [sflag:$0x1] =	stream.indirect.gather [spmem:s3], $0x40, s25, s22, $0xb8;
	[tilespmem:$0x1F180] =	vst v63  }
0x47: {  	s23 =	simm.s32 $0x68  }
0x48: {  	[tilespmem:s24], [sflag:$0x2] =	stream.indirect.gather [spmem:s3], $0x40, s23, s22, $0xb8;
	[tilespmem:$0x1F180] =	vst v63  }
0x49: {  	s25 =	simm.s32 $0xD0  }
0x4a: {  	[tilespmem:s26], [sflag:$0x3] =	stream.indirect.gather [spmem:s3], $0x40, s25, s22, $0xb8;
	[tilespmem:$0x1F180] =	vst v63  }
0x4b: {  	_ =	swait.ge [sflag:s28], $0x1900  }
0x4c: {  	[sflag:s28] =	ssyncset.done $0x0  }
0x4d: {  	s23 =	simm.s32 $0x138;
	[sflag:s28] =	ssyncadd.s32 $0xFFFFE700  }
0x4e: {  	[tilespmem:s29], [sflag:$0x4] =	stream.indirect.gather [spmem:s3], $0x40, s23, s22, $0xb8;
	[tilespmem:$0x1F180] =	vst v63  }
0x4f: {  	s25 =	simm.s32 $0x28A0  }
0x50: {  	[spmem:s2] =	stream.indirect.scatter.add.f32 [tilespmem:s17], [sflag:$0x5], $0x40, s25, s22, $0xb8;
	[tilespmem:$0x1F180] =	vst v63  }
0x51: {  	_ =	swait.ge [sflag:s18], $0x1900  }
0x52: {  	[sflag:s18] =	ssyncset.done $0x0  }
0x53: {  	[sflag:s18] =	ssyncadd.s32 $0xFFFFE700  }
0x54: {  	_ =	swait.ge [sflag:s30], $0x1900  }
0x55: {  	[sflag:s30] =	ssyncset.done $0x0  }
0x56: {  	s23 =	simm.s32 $0x1A0;
	[sflag:s30] =	ssyncadd.s32 $0xFFFFE700  }
0x57: {  	[tilespmem:s17], [sflag:$0x1] =	stream.indirect.gather [spmem:s3], $0x40, s23, s22, $0xb8;
	[tilespmem:$0x1F180] =	vst v63  }
0x58: {  	s25 =	simm.s32 $0x2908  }
0x59: {  	[spmem:s2] =	stream.indirect.scatter.add.f32 [tilespmem:s24], [sflag:$0x5], $0x40, s25, s22, $0xb8;
	[tilespmem:$0x1F180] =	vst v63  }
0x5a: {  	_ =	swait.ge [sflag:s18], $0x1900  }
0x5b: {  	[sflag:s18] =	ssyncset.done $0x0  }
0x5c: {  	[sflag:s18] =	ssyncadd.s32 $0xFFFFE700  }
0x5d: {  	_ =	swait.ge [sflag:s31], $0x1900  }
0x5e: {  	[sflag:s31] =	ssyncset.done $0x0  }
0x5f: {  	s23 =	simm.s32 $0x208;
	[sflag:s31] =	ssyncadd.s32 $0xFFFFE700  }
0x60: {  	[tilespmem:s24], [sflag:$0x2] =	stream.indirect.gather [spmem:s3], $0x40, s23, s22, $0xb8;
	[tilespmem:$0x1F180] =	vst v63  }
0x61: {  	s25 =	simm.s32 $0x2970  }
0x62: {  	[spmem:s2] =	stream.indirect.scatter.add.f32 [tilespmem:s26], [sflag:$0x5], $0x40, s25, s22, $0xb8;
	[tilespmem:$0x1F180] =	vst v63  }
0x63: {  	_ =	swait.ge [sflag:s18], $0x1900  }
0x64: {  	[sflag:s18] =	ssyncset.done $0x0  }
0x65: {  	[sflag:s18] =	ssyncadd.s32 $0xFFFFE700  }
0x66: {  	_ =	swait.ge [sflag:s1], $0x1900  }
0x67: {  	[sflag:s1] =	ssyncset.done $0x0  }
0x68: {  	s23 =	simm.s32 $0x270;
	[sflag:s1] =	ssyncadd.s32 $0xFFFFE700  }
0x69: {  	[tilespmem:s26], [sflag:$0x3] =	stream.indirect.gather [spmem:s3], $0x40, s23, s22, $0xb8;
	[tilespmem:$0x1F180] =	vst v63  }
0x6a: {  	s25 =	simm.s32 $0x29D8  }
0x6b: {  	[spmem:s2] =	stream.indirect.scatter.add.f32 [tilespmem:s29], [sflag:$0x5], $0x40, s25, s22, $0xb8;
	[tilespmem:$0x1F180] =	vst v63  }
0x6c: {  	_ =	swait.ge [sflag:s18], $0x1900  }
0x6d: {  	s21 =	simm.s32 $0x680;
	[sflag:s18] =	ssyncset.done $0x0  }
.LBB2_4:
0x6e: {  	p0 =	sne.s32 s21, $0x9580  }
0x6f: {  	[sflag:s18] =	ssyncadd.s32 $0xFFFFE700;
	s23 =	smov.u32 s21;
	s21 =	sadd.s32 $0x680, s21  }
0x70: {  	_ = 	snop  }
0x71: {  	_ =	swait.ge [sflag:s28], $0x1900  }
0x72: {  	s23 =	sshra.s32 s23, $0x2;
	[sflag:s28] =	ssyncset.done $0x0  }
0x73: {  	s25 =	sadd.s32 $0x138, s23;
	[sflag:s28] =	ssyncadd.s32 $0xFFFFE700  }
0x74: {  	[tilespmem:s29], [sflag:$0x4] =	stream.indirect.gather [spmem:s3], $0x40, s25, s22, $0xb8;
	[tilespmem:$0x1F180] =	vst v63  }
0x75: {  	s25 =	sadd.s32 $0x28A0, s23  }
0x76: {  	[spmem:s2] =	stream.indirect.scatter.add.f32 [tilespmem:s17], [sflag:$0x5], $0x40, s25, s22, $0xb8;
	[tilespmem:$0x1F180] =	vst v63  }
0x77: {  	_ =	swait.ge [sflag:s18], $0x1900  }
0x78: {  	[sflag:s18] =	ssyncset.done $0x0  }
0x79: {  	[sflag:s18] =	ssyncadd.s32 $0xFFFFE700  }
0x7a: {  	_ =	swait.ge [sflag:s30], $0x1900  }
0x7b: {  	[sflag:s30] =	ssyncset.done $0x0  }
0x7c: {  	s25 =	sadd.s32 $0x1A0, s23;
	[sflag:s30] =	ssyncadd.s32 $0xFFFFE700  }
0x7d: {  	[tilespmem:s17], [sflag:$0x1] =	stream.indirect.gather [spmem:s3], $0x40, s25, s22, $0xb8;
	[tilespmem:$0x1F180] =	vst v63  }
0x7e: {  	s25 =	sadd.s32 $0x2908, s23  }
0x7f: {  	[spmem:s2] =	stream.indirect.scatter.add.f32 [tilespmem:s24], [sflag:$0x5], $0x40, s25, s22, $0xb8;
	[tilespmem:$0x1F180] =	vst v63  }
0x80: {  	_ =	swait.ge [sflag:s18], $0x1900  }
0x81: {  	[sflag:s18] =	ssyncset.done $0x0  }
0x82: {  	[sflag:s18] =	ssyncadd.s32 $0xFFFFE700  }
0x83: {  	_ =	swait.ge [sflag:s31], $0x1900  }
0x84: {  	[sflag:s31] =	ssyncset.done $0x0  }
0x85: {  	s25 =	sadd.s32 $0x208, s23;
	[sflag:s31] =	ssyncadd.s32 $0xFFFFE700  }
0x86: {  	[tilespmem:s24], [sflag:$0x2] =	stream.indirect.gather [spmem:s3], $0x40, s25, s22, $0xb8;
	[tilespmem:$0x1F180] =	vst v63  }
0x87: {  	s25 =	sadd.s32 $0x2970, s23  }
0x88: {  	[spmem:s2] =	stream.indirect.scatter.add.f32 [tilespmem:s26], [sflag:$0x5], $0x40, s25, s22, $0xb8;
	[tilespmem:$0x1F180] =	vst v63  }
0x89: {  	_ =	swait.ge [sflag:s18], $0x1900  }
0x8a: {  	[sflag:s18] =	ssyncset.done $0x0  }
0x8b: {  	[sflag:s18] =	ssyncadd.s32 $0xFFFFE700  }
0x8c: {  	_ =	swait.ge [sflag:s1], $0x1900  }
0x8d: {  	[sflag:s1] =	ssyncset.done $0x0  }
0x8e: {  	s25 =	sadd.s32 $0x270, s23;
	[sflag:s1] =	ssyncadd.s32 $0xFFFFE700  }
0x8f: {  	[tilespmem:s26], [sflag:$0x3] =	stream.indirect.gather [spmem:s3], $0x40, s25, s22, $0xb8;
	[tilespmem:$0x1F180] =	vst v63  }
.Ltmp1:
0x90: {  	_ = 	snop;
	(pc) =	sbr.rel @p0 .LBB2_4-.Ltmp1, $4  }
0x91: {  	s23 =	sadd.s32 $0x29D8, s23  }
0x92: {  	[spmem:s2] =	stream.indirect.scatter.add.f32 [tilespmem:s29], [sflag:$0x5], $0x40, s23, s22, $0xb8;
	[tilespmem:$0x1F180] =	vst v63  }
0x93: {  	_ =	swait.ge [sflag:s18], $0x1900  }
0x94: {  	[sflag:s18] =	ssyncset.done $0x0  }
0x95: {  	[sflag:s18] =	ssyncadd.s32 $0xFFFFE700  }
0x96: {  	_ =	swait.ge [sflag:s28], $0x1900  }
0x97: {  	[sflag:s28] =	ssyncset.done $0x0  }
0x98: {  	s21 =	simm.s32 $0x2838;
	[sflag:s28] =	ssyncadd.s32 $0xFFFFE700  }
0x99: {  	[tilespmem:s29], [sflag:$0x4] =	stream.indirect.gather [spmem:s3], $0x40, s21, s22, $0xb8;
	[tilespmem:$0x1F180] =	vst v63  }
0x9a: {  	s23 =	simm.s32 $0x4FA0  }
0x9b: {  	[spmem:s2] =	stream.indirect.scatter.add.f32 [tilespmem:s17], [sflag:$0x5], $0x40, s23, s22, $0xb8;
	[tilespmem:$0x1F180] =	vst v63  }
0x9c: {  	_ =	swait.ge [sflag:s18], $0x1900  }
0x9d: {  	[sflag:s18] =	ssyncset.done $0x0  }
0x9e: {  	[sflag:s18] =	ssyncadd.s32 $0xFFFFE700  }
0x9f: {  	_ =	swait.ge [sflag:s30], $0x1900  }
0xa0: {  	[sflag:s30] =	ssyncset.done $0x0  }
0xa1: {  	s25 =	simm.s32 $0x5008;
	[sflag:s30] =	ssyncadd.s32 $0xFFFFE700  }
0xa2: {  	[spmem:s2] =	stream.indirect.scatter.add.f32 [tilespmem:s24], [sflag:$0x5], $0x40, s25, s22, $0xb8;
	[tilespmem:$0x1F180] =	vst v63  }
0xa3: {  	_ =	swait.ge [sflag:s18], $0x1900  }
0xa4: {  	[sflag:s18] =	ssyncset.done $0x0  }
0xa5: {  	[sflag:s18] =	ssyncadd.s32 $0xFFFFE700  }
0xa6: {  	_ =	swait.ge [sflag:s31], $0x1900  }
0xa7: {  	[sflag:s31] =	ssyncset.done $0x0  }
0xa8: {  	s23 =	simm.s32 $0x5070;
	[sflag:s31] =	ssyncadd.s32 $0xFFFFE700  }
0xa9: {  	[spmem:s2] =	stream.indirect.scatter.add.f32 [tilespmem:s26], [sflag:$0x5], $0x40, s23, s22, $0xb8;
	[tilespmem:$0x1F180] =	vst v63  }
0xaa: {  	_ =	swait.ge [sflag:s18], $0x1900  }
0xab: {  	[sflag:s18] =	ssyncset.done $0x0  }
0xac: {  	[sflag:s18] =	ssyncadd.s32 $0xFFFFE700  }
0xad: {  	_ =	swait.ge [sflag:s1], $0x1900  }
0xae: {  	[sflag:s1] =	ssyncset.done $0x0  }
0xaf: {  	[sflag:s1] =	ssyncadd.s32 $0xFFFFE700  }
0xb0: {  	[spmem:s2] =	stream.indirect.scatter.add.f32 [tilespmem:s29], [sflag:$0x5], $0x40, s0, s22, $0xb8;
	[tilespmem:$0x1F180] =	vst v63  }
0xb1: {  	_ =	swait.ge [sflag:s18], $0x1900  }
0xb2: {  	s4 =	sadd.s32 $0x1, s4;
	[sflag:s18] =	ssyncset.done $0x0  }
0xb3: {  	p0 =	sne.s32 s4, s16;
	[sflag:s18] =	ssyncadd.s32 $0xFFFFE700  }
.Ltmp2:
0xb4: {  	s25 =	sshrl.u32 s5, $0x3;
	[bflag:$0x0] =	sbarrier.arrive $0xFFFF;
	(pc) =	sbr.rel @p0 .LBB2_1-.Ltmp2, $4  }
0xb5: {  	[hbm:s15], [sflag:s19] =	dma.local [spmem:s25], $0x1400  }
0xb6: {  	_ =	swait.ge [sflag:s18], $0x1400  }
0xb7: {  	[sflag:s18] =	ssyncset.done $0x0  }
0xb8: {  	[sflag:s18] =	ssyncadd.s32 $0xFFFFEC00  }
0xb9: {  	_ =	sfence.sel $0x180000  }
0xba: {  	[bflag:$0x0] =	sbarrier.arrive $0xFFFF  }
0xbb: {  	_ =	strace $0x9000004D  }
0xbc: {  	s0 =	stileid.u32;
	[bflag:$0x2] =	sbarrier.arrive $0xFFFF  }
0xbd: {  	p0 =	sne.s32 s0, $0x0;
	s0 =	rddreg [dreg:$0x4]  }
0xbe: {  	s0 =	sadd.s32 @!p0 $0x100000, s0  }
0xbf: {  	[sflag:s0] =	ssyncadd.tile.s32 @!p0 $0x1;
	_ =	shalt  }
.Lfunc_end2:
_tile_overlayer_lowered:
.L_overlay_start_2:
0xc0: {  	(tag) =	ssettag $0x2  }
0xc1: {  	s0 =	rddreg [dreg:$0x0];
	s2 =	stileid.u32  }
0xc2: {  	s1 =	rddreg [dreg:$0x1];
	p0 =	sne.s32 s2, $0x0  }
0xc3: {  	s3 =	rddreg [dreg:$0x2];
	[bflag:$0x3] =	sbarrier.arrive $0xFFFF;
	s2 =	simm.s32 @!p0 $0x1C05  }
0xc4: {  	[timem:s3], [sflag:s2] =	dma.local @!p0 [hbm:s0], s1  }
0xc5: {  	s0 =	simm.s32 @!p0 $0x5  }
0xc6: {  	_ =	swait.ge @!p0 [sflag:s0], s1  }
0xc7: {  	s1 =	ssub.s32 @!p0 $0x0, s1;
	[sflag:s0] =	ssyncset.done @!p0 $0x0  }
0xc8: {  	[sflag:s0] =	ssyncadd.s32 @!p0 s1  }
0xc9: {  	[bflag:$0x3] =	sbarrier.arrive $0xFFFF  }
0xca: {  	_ =	shalt  }

// kernel: kernel.8.cloned.1.call-start
scs
__scs_entry_jumppad:
0x0: {  	(pc) =	sbr.rel $0x88, $3  }
0x1: {  	(tag) =	ssettag $0x0;
	lr =	simm.s32 $0x1  }
0x2: {  	[smem:$0x3F9A] =	sst lr;
	_ =	strace $0xD0000000  }
0x3: {  	_ = 	snop  }
0x4: {  	_ = 	snop  }
0x5: {  	_ = 	snop  }
0x6: {  	_ = 	snop  }
0x7: {  	_ = 	snop  }
__scs_overlays_trampoline_lowered:
0x8: {  	[smem:$0x3FA9] =	sst s0  }
0x9: {  	[smem:$0x3FAA] =	sst s1  }
0xa: {  	[smem:$0x3FAB] =	sst s2  }
0xb: {  	[smem:$0x3FAC] =	sst s3  }
0xc: {  	[smem:$0x3FAD] =	sst s4  }
0xd: {  	[smem:$0x3FAE] =	sst s5  }
0xe: {  	[smem:$0x3FAF] =	sst s6  }
0xf: {  	[smem:$0x3FB0] =	sst s7  }
0x10: {  	[smem:$0x3FB1] =	sst s8  }
0x11: {  	[smem:$0x3FB2] =	sst s9;
	s0 =	simm.s32 @!p0 $0x0  }
0x12: {  	s1 =	sld [smem:$0x3F98];
	s0 =	simm.s32 @p0 $0x1  }
0x13: {  	[smem:$0x3FB3] =	sst s0;
	s0 =	simm.s32 @!p1 $0x0  }
0x14: {  	s2 =	sld [smem:$0x3F97];
	s0 =	simm.s32 @p1 $0x1  }
0x15: {  	[smem:$0x3FB4] =	sst s0;
	s0 =	simm.s32 @!p2 $0x0  }
0x16: {  	s3 =	sld [smem:$0x3FDB];
	s0 =	simm.s32 @p2 $0x1  }
0x17: {  	s4 =	simm.s32 $0x1BF5;
	[smem:$0x3FB6] =	sst s0  }
0x18: {  	s0 =	sld [smem:$0x3F99];
	_ =	swait.ge [sflag:s4], $0x0  }
0x19: {  	s7 =	sld [smem:$0x3F9A]  }
0x1a: {  	s8 =	sadd.s32 $0xFFFFE003, lr  }
0x1b: {  	s9 =	sadd.s32 $0xFFFFFEF7, lr;
	s5 =	simm.s32 $0xFFFFFFFF;
	p2 =	slt.u32 s8, $0xFFFFF086  }
0x1c: {  	p1 =	slt.u32 s9, $0xF7A;
	s5 =	simm.s32 @!p2 $0x0  }
0x1d: {  	s5 =	simm.s32 @p1 $0x1;
	p0 =	seq.s32 s7, s2  }
0x1e: {  	s7 =	smul.u32 @!p0 $0xF7A, s2;
	p2 =	seq.s32 @!p0 s5, $0x0  }
0x1f: {  	s9 =	smul.u32 $0xF7A, s1;
	s8 =	simm.s32 @!p0 $0x1BF5;
	p2 =	por !p2, p0  }
0x20: {  	[sflag:s8] =	ssyncset.s32 @!p0 $0xFFFFF086;
	s6 =	sadd.s32 @!p0 s3, s7;
	s7 =	simm.s32 @!p0 $0x108  }
0x21: {  	s3 =	sadd.s32 s3, s9;
	s6 =	sadd.s32 @!p0 $0x88, s6;
	s7 =	simm.s32 @p2 $0x1082  }
0x22: {  	[simem:s7], [sflag:s8] =	dma.local @!p0 [hbm:s6], $0xF7A  }
0x23: {  	s9 =	sor.u32 $0xD0000000, s2;
	s6 =	simm.s32 $0x108;
	_ =	swait.ge @!p0 [sflag:s8], $0x0  }
0x24: {  	s3 =	sadd.s32 $0x88, s3;
	s6 =	simm.s32 @!p1 $0x1082;
	[sflag:s4] =	ssyncset.s32 $0xFFFFF086  }
0x25: {  	[simem:s6], [sflag:s4] =	dma.local [hbm:s3], $0xF7A  }
0x26: {  	[smem:$0x3F9A] =	sst s1;
	(tag) =	ssettag s2;
	_ =	strace s9  }
0x27: {  	s1 =	sld [smem:$0x3FAA]  }
0x28: {  	s2 =	sld [smem:$0x3FAB]  }
0x29: {  	s4 =	sld [smem:$0x3FAD]  }
0x2a: {  	p0 =	seq.s32 s5, $0x0;
	s5 =	sld [smem:$0x3FAE]  }
0x2b: {  	s6 =	sld [smem:$0x3FAF]  }
0x2c: {  	s7 =	sld [smem:$0x3FB0]  }
0x2d: {  	s3 =	simm.s32 $0x108;
	s8 =	sld [smem:$0x3FB1]  }
0x2e: {  	s3 =	simm.s32 @!p0 $0x1082;
	s9 =	sld [smem:$0x3FB2]  }
0x2f: {  	lr =	sadd.s32 s0, s3;
	s0 =	sld [smem:$0x3FA9]  }
0x30: {  	s3 =	sld [smem:$0x3FAC]  }
0x31: {  	[smem:$0x3FB5] =	sst s10  }
0x32: {  	s10 =	sld [smem:$0x3FB3];
	_ =	sdelay $0x3  }
0x33: {  	p0 =	seq.s32 s10, $0x1;
	s10 =	sld [smem:$0x3FB5];
	_ =	sdelay $0x3  }
0x34: {  	[smem:$0x3FB5] =	sst s10  }
0x35: {  	s10 =	sld [smem:$0x3FB4];
	_ =	sdelay $0x3  }
0x36: {  	p1 =	seq.s32 s10, $0x1;
	s10 =	sld [smem:$0x3FB5];
	_ =	sdelay $0x3  }
0x37: {  	[smem:$0x3FB5] =	sst s10  }
0x38: {  	s10 =	sld [smem:$0x3FB6]  }
0x39: {  	_ = 	snop;
	(pc) =	sbr.ind lr, $3  }
0x3a: {  	_ = 	snop  }
0x3b: {  	_ = 	snop  }
0x3c: {  	p2 =	seq.s32 s10, $0x1;
	s10 =	sld [smem:$0x3FB5]  }
0x3d: {  	_ =	shalt  }
0x3e: {  	_ =	shalt  }
0x3f: {  	_ =	shalt  }
0x40: {  	_ =	shalt  }
0x41: {  	_ =	shalt  }
0x42: {  	_ =	shalt  }
0x43: {  	_ =	shalt  }
0x44: {  	_ =	shalt  }
0x45: {  	_ =	shalt  }
0x46: {  	_ =	shalt  }
0x47: {  	_ =	shalt  }
0x48: {  	_ =	shalt  }
0x49: {  	_ =	shalt  }
0x4a: {  	_ =	shalt  }
0x4b: {  	_ =	shalt  }
0x4c: {  	_ =	shalt  }
0x4d: {  	_ =	shalt  }
0x4e: {  	_ =	shalt  }
0x4f: {  	_ =	shalt  }
0x50: {  	_ =	shalt  }
0x51: {  	_ =	shalt  }
0x52: {  	_ =	shalt  }
0x53: {  	_ =	shalt  }
0x54: {  	_ =	shalt  }
0x55: {  	_ =	shalt  }
0x56: {  	_ =	shalt  }
0x57: {  	_ =	shalt  }
0x58: {  	_ =	shalt  }
0x59: {  	_ =	shalt  }
0x5a: {  	_ =	shalt  }
0x5b: {  	_ =	shalt  }
0x5c: {  	_ =	shalt  }
0x5d: {  	_ =	shalt  }
0x5e: {  	_ =	shalt  }
0x5f: {  	_ =	shalt  }
0x60: {  	_ =	shalt  }
0x61: {  	_ =	shalt  }
0x62: {  	_ =	shalt  }
0x63: {  	_ =	shalt  }
0x64: {  	_ =	shalt  }
0x65: {  	_ =	shalt  }
0x66: {  	_ =	shalt  }
0x67: {  	_ =	shalt  }
0x68: {  	_ =	shalt  }
0x69: {  	_ =	shalt  }
0x6a: {  	_ =	shalt  }
0x6b: {  	_ =	shalt  }
0x6c: {  	_ =	shalt  }
0x6d: {  	_ =	shalt  }
0x6e: {  	_ =	shalt  }
0x6f: {  	_ =	shalt  }
0x70: {  	_ =	shalt  }
0x71: {  	_ =	shalt  }
0x72: {  	_ =	shalt  }
0x73: {  	_ =	shalt  }
0x74: {  	_ =	shalt  }
0x75: {  	_ =	shalt  }
0x76: {  	_ =	shalt  }
0x77: {  	_ =	shalt  }
0x78: {  	_ =	shalt  }
0x79: {  	_ =	shalt  }
0x7a: {  	_ =	shalt  }
0x7b: {  	_ =	shalt  }
0x7c: {  	_ =	shalt  }
0x7d: {  	_ =	shalt  }
0x7e: {  	_ =	shalt  }
0x7f: {  	_ =	shalt  }
0x80: {  	_ =	shalt  }
0x81: {  	_ =	shalt  }
0x82: {  	_ =	shalt  }
0x83: {  	_ =	shalt  }
0x84: {  	_ =	shalt  }
0x85: {  	_ =	shalt  }
0x86: {  	_ =	shalt  }
0x87: {  	_ =	shalt  }
.Lfunc_end0:
.L_simem_size_0:
called_computation_lowered:
.L_overlay_start_0:
0x88: {  	s2 =	sld [smem:$0x3FD9]  }
0x89: {  	s3 =	sld [smem:$0x3FFE];
	_ =	sdelay $0x1  }
0x8a: {  	s1 =	srdreg.scid  }
0x8b: {  	s0 =	sand.u32 $0x1, s1  }
0x8c: {  	s16 =	sshll.u32 s0, $0xA;
	s2 =	sadd.s32 s3, s2  }
0x8d: {  	s2 =	sadd.s32 s2, s16  }
0x8e: {  	[smem:$0x3FC1] =	sst s2  }
0x8f: {  	_ = 	snop  }
0x90: {  	(tm) =	ssettm $0x1  }
0x91: {  	s17 =	sld [smem:$0x3FFB];
	_ =	sdelay $0x3  }
0x92: {  	_ =	strace s17  }
0x93: {  	s2 =	sld [smem:$0x3FFC];
	_ =	sdelay $0x3  }
0x94: {  	_ =	strace s2  }
0x95: {  	s2 =	sld [smem:$0x3FFD];
	_ =	sdelay $0x3  }
0x96: {  	_ =	strace s2  }
0x97: {  	_ =	strace $0x8FFFFFFF  }
0x98: {  	s18 =	sld [smem:$0x3FDB];
	_ =	sdelay $0x1  }
0x99: {  	s19 =	simm.s32 $_scs_section_size  }
0x9a: {  	s4 =	simm.s32 $_size__tile_overlayer_lowered;
	s5 =	simm.s32 $_tile_overlayer_lowered  }
0x9b: {  	s22 =	simm.s32 $0x1BFF;
	s21 =	sshll.u32 s5, $0x1;
	s2 =	sadd.s32 s19, s18  }
0x9c: {  	s6 =	simm.s32 $0x0;
	s20 =	sshll.u32 s4, $0x1;
	s4 =	sadd.s32 s21, s2  }
0x9d: {  	[timem:s6], [sflag:s22] =	dma.local [hbm:s4], s20  }
0x9e: {  	_ =	swait.ge [sflag:s22], s20  }
0x9f: {  	s3 =	ssub.s32 $0x0, s20;
	[sflag:s22] =	ssyncset.done $0x0  }
0xa0: {  	[sflag:s22] =	ssyncadd.s32 s3;
	_ =	sdelay $0x1  }
0xa1: {  	s23 =	simm.s32 $0x1B8B  }
0xa2: {  	_ =	swait.ge [sflag:s23], $0x1  }
0xa3: {  	[sflag:s23] =	ssyncset.done $0x0  }
0xa4: {  	s25 =	simm.s32 $0x1B8E;
	s24 =	sld [smem:$0x3FFE];
	[sflag:s23] =	ssyncadd.s32 $0xFFFFFFFF  }
0xa5: {  	s26 =	simm.s32 $execute0_lowered;
	[smem:$0x3FD2] =	sst s25  }
0xa6: {  	s4 =	sshll.u32 s26, $0x1;
	_ =	strace $0x80000046;
	[dreg:$0x1] =	wrdreg $0xFFFFFFFF  }
0xa7: {  	s28 =	simm.s32 $_size_execute0_lowered;
	s2 =	sadd.s32 s2, s4;
	[dreg:$0x0] =	wrdreg $0x0  }
0xa8: {  	s4 =	sshll.u32 s28, $0x1;
	[dreg:$0x2] =	wrdreg s2  }
0xa9: {  	[dreg:$0x3] =	wrdreg s4  }
0xaa: {  	[dreg:$0x4] =	wrdreg $0xC0  }
0xab: {  	_ =	task [dreg:s6], $0x5FFFF  }
0xac: {  	[dreg:$0x1] =	wrdreg $0xFFFFFFFF  }
0xad: {  	[dreg:$0x0] =	wrdreg $0x60  }
0xae: {  	[dreg:$0x2] =	wrdreg s24  }
0xaf: {  	[dreg:$0x3] =	wrdreg $0x9  }
0xb0: {  	_ =	task.clear_ibuf [dreg:s6], $0x4FFFF;
	_ =	strace $0x90000046  }
0xb1: {  	s29 =	simm.s32 $0x9;
	_ =	strace $0x80000048  }
0xb2: {  	_ =	swait.ge [sflag:s29], $0x1  }
0xb3: {  	[sflag:s29] =	ssyncadd.s32 $0xFFFFFFFF  }
0xb4: {  	_ =	strace $0x90000048  }
0xb5: {  	_ =	sfence  }
0xb6: {  	s30 =	sld [smem:$0x0];
	_ =	sdelay $0x2  }
0xb7: {  	s31 =	sshll.u32 s1, $0xD;
	s1 =	sshrl.u32 s1, $0x2  }
0xb8: {  	s3 =	sand.u32 $0x4000, s31;
	s1 =	sadd.s32 s1, s30  }
0xb9: {  	s0 =	sor.u32 s3, s0;
	s1 =	sshll.u32 s1, $0x11  }
0xba: {  	s0 =	sor.u32 s1, s0  }
0xbb: {  	s0 =	sadd.s32 $0x8F2B, s0  }
0xbc: {  	[sflag:s0] =	ssyncadd.remote.s32 $0x1  }
0xbd: {  	_ =	sfence.sel $0xFFFF  }
0xbe: {  	[dreg:$0x0] =	wrdreg $0xFFFFFFFF;
	(pc) =	sbr.abs _section_cstart, $3  }
0xbf: {  	[dreg:$0x1] =	wrdreg $0xFFFFFFFF  }
0xc0: {  	_ =	task.clear_ibuf [dreg:s6], $0x2FFFF;
	_ =	strace $0x9FFFFFFF  }
0xc1: {  	(tm) =	ssettm $0x7FFFFFFF  }
tec
execute0_lowered:
.L_overlay_start_1:
0x0: {  	(tag) =	ssettag $0x1  }
0x1: {  	s0 =	srdreg.scid  }
0x2: {  	s4 =	rddreg [dreg:$0x0];
	s3 =	sand.u32 $0x1, s0  }
0x3: {  	s1 =	stileid.u32;
	s7 =	simm.s32 $0x2780;
	s2 =	sshll.u32 s3, $0x4  }
0x4: {  	s0 =	rddreg [dreg:$0x1];
	s3 =	ssub.s32 $0x2, s3;
	s5 =	sor.u32 s1, s2  }
0x5: {  	s2 =	simm.s32 $0x0;
	s6 =	sshrl.u32 s3, $0x1;
	s5 =	smul.u32 $0x4E2, s5  }
0x6: {  	s8 =	simm.s32 $0x0;
	[smem:$0x7FF] =	sst s2;
	s31 =	ssub.s32 s3, s6  }
0x7: {  	s6 =	simm.s32 $0x1;
	_ =	strace $0x80000047;
	s4 =	sadd.s32 s5, s4  }
0x8: {  	v0 =	vimm.f32 $0.0e+00;
	v1 =	vimm.f32 $1.000000000e+00;
	s5 =	smax.u32 s31, $0x1;
	s3 =	sadd.s32 $0x2600, s4;
	s4 =	sadd.s32 $0xC400, s4  }
.LBB2_1:
0x9: {  	[tilespmem:s2], [sflag:$0x1] =	stream.linear.gather [hbm4b:s3+s2], $0x2710, $0x38;
	[tilespmem:$0x4F00] =	vst v63  }
0xa: {  	_ =	swait.ge [sflag:s6], $0x2710  }
0xb: {  	[sflag:s6] =	ssyncset.done $0x0  }
0xc: {  	s9 =	simm.s32 $0x0;
	[sflag:s6] =	ssyncadd.s32 $0xFFFFD8F0  }
.LBB2_2:
0xd: {  	p0 =	sne.s32 s9, $0x9C00  }
.Ltmp0:
0xe: {  	_ = 	snop;
	(pc) =	sbr.rel @p0 .LBB2_2-.Ltmp0, $3  }
0xf: {  	_ =	sdelay $0x1  }
0x10: {  	s10 =	sshra.s32 s9, $0x2  }
0x11: {  	s9 =	sadd.s32 $0x40, s9;
	[tilespmem:s10+$0x2780] =	vst v0  }
0x12: {  	s10 =	simm.s32 $0x0;
	s9 =	simm.s32 $0x40  }
.LBB2_4:
0x13: {  	p0 =	sne.s32 s9, $0x9C00;
	v2 =	vld [tilespmem:s10+$0x0];
	_ =	sdelay $0x3  }
.Ltmp1:
0x14: {  	(pc) =	sbr.rel @p0 .LBB2_4-.Ltmp1, $2  }
0x15: {  	_ =	sdelay $0x2  }
0x16: {  	s10 =	sshra.s32 s9, $0x2;
	s9 =	sadd.s32 $0x40, s9;
	[tilespmem:v2+s7+$0x0] =	vst.idx.add.f32.msk $0xffff, v1  }
0x17: {  	v2 =	vld [tilespmem:s10+$0x0];
	_ =	sdelay $0x5  }
0x18: {  	s8 =	sadd.s32 $0x1, s8  }
0x19: {  	p0 =	sne.s32 s8, s5  }
.Ltmp2:
0x1a: {  	[tilespmem:v2+s7+$0x0] =	vst.idx.add.f32.msk $0xffff, v1;
	(pc) =	sbr.rel @p0 .LBB2_1-.Ltmp2, $4  }
0x1b: {  	[hbm4b:s4+s2] =	stream.linear.scatter [tilespmem:s7], [sflag:$0x1], $0x2710, $0x38;
	[tilespmem:$0x4F00] =	vst v63  }
0x1c: {  	_ =	swait.ge [sflag:s6], $0x2710  }
0x1d: {  	[sflag:s6] =	ssyncset.done $0x0  }
0x1e: {  	[sflag:s6] =	ssyncadd.s32 $0xFFFFD8F0  }
0x1f: {  	_ =	sfence.sel $0x180000  }
0x20: {  	[bflag:$0x0] =	sbarrier.arrive $0xFFFF  }
0x21: {  	p0 =	sne.s32 s1, $0x0;
	_ =	strace $0x90000047  }
0x22: {  	s0 =	sadd.s32 @!p0 $0x100000, s0;
	[bflag:$0x2] =	sbarrier.arrive $0xFFFF  }
0x23: {  	[sflag:s0] =	ssyncadd.tile.s32 @!p0 $0x1;
	_ =	shalt  }
.Lfunc_end2:
_tile_overlayer_lowered:
.L_overlay_start_2:
0x24: {  	(tag) =	ssettag $0x2  }
0x25: {  	s0 =	rddreg [dreg:$0x0];
	s2 =	stileid.u32  }
0x26: {  	s1 =	rddreg [dreg:$0x1];
	p0 =	sne.s32 s2, $0x0  }
0x27: {  	s3 =	rddreg [dreg:$0x2];
	[bflag:$0x3] =	sbarrier.arrive $0xFFFF;
	s2 =	simm.s32 @!p0 $0x1C01  }
0x28: {  	[timem:s3], [sflag:s2] =	dma.local @!p0 [hbm:s0], s1  }
0x29: {  	s0 =	simm.s32 @!p0 $0x1  }
0x2a: {  	_ =	swait.ge @!p0 [sflag:s0], s1  }
0x2b: {  	s1 =	ssub.s32 @!p0 $0x0, s1;
	[sflag:s0] =	ssyncset.done @!p0 $0x0  }
0x2c: {  	[sflag:s0] =	ssyncadd.s32 @!p0 s1  }
0x2d: {  	[bflag:$0x3] =	sbarrier.arrive $0xFFFF  }
0x2e: {  	_ =	shalt  }

</sc_bundles>
